<compile_context>
chip_gen: v7x
topology: tpu7x:2x2x1
jax: 0.10.2.dev20260603
libtpu: 0.0.44.dev20260713+nightly
codegen_flags: <defaults>
</compile_context>

<pallas_src>
import functools

import jax
import jax.numpy as jnp
from jax import lax
from jax.experimental import pallas as pl
from jax.experimental.pallas import tpu as pltpu
from jax.experimental.pallas import tpu_sc as plsc

DICT_SIZE = 100000
HIDDEN_DIM = 128
BATCH = 4096
SEQ = 50

_NC = 2
_NS = 16
_NW = _NC * _NS

_N = BATCH * SEQ
_PER_W = _N // _NW
_K = 128
_CHUNKS = _PER_W // _K
_NBUF = 5
_LOOK = 1


def _make_gather():
    mesh = plsc.VectorSubcoreMesh(
        core_axis_name="c", subcore_axis_name="s",
        num_cores=_NC, num_subcores=_NS,
    )

    @functools.partial(
        pl.kernel,
        out_type=jax.ShapeDtypeStruct((_N, HIDDEN_DIM), jnp.float32),
        mesh=mesh,
        scratch_types=[
            pltpu.VMEM((_CHUNKS, _K), jnp.int32),
            pltpu.VMEM((_NBUF, _K, HIDDEN_DIM), jnp.float32),
            [pltpu.SemaphoreType.DMA] * _NBUF,
            [pltpu.SemaphoreType.DMA] * _NBUF,
        ],
    )
    def gather_kernel(idx_hbm, table_hbm, out_hbm, idx_v, rows_v, sg, ss):
        wid = lax.axis_index("s") * _NC + lax.axis_index("c")
        base = wid * _PER_W

        def fire_gather(c, b):
            pltpu.async_copy(table_hbm.at[idx_v.at[c]], rows_v.at[b], sg[b])

        def wait_gather(c, b):
            pltpu.make_async_copy(
                table_hbm.at[idx_v.at[c]], rows_v.at[b], sg[b]
            ).wait()

        def fire_scatter(c, b):
            pltpu.async_copy(
                rows_v.at[b], out_hbm.at[pl.ds(base + c * _K, _K)], ss[b]
            )

        def wait_scatter(c, b):
            pltpu.make_async_copy(
                rows_v.at[b], out_hbm.at[pl.ds(base + c * _K, _K)], ss[b]
            ).wait()

        pltpu.sync_copy(idx_hbm.at[wid], idx_v)

        for b in range(_LOOK):
            fire_gather(b, b)

        def body(c0):
            for b in range(_NBUF):
                c = c0 + b
                bg = (b + _LOOK) % _NBUF
                cg = c + _LOOK

                @pl.when(cg < _CHUNKS)
                def _():
                    @pl.when(cg >= _NBUF)
                    def _():
                        wait_scatter(cg - _NBUF, bg)

                    fire_gather(cg, bg)

                wait_gather(c, b)
                fire_scatter(c, b)

        pl.loop(0, _CHUNKS, step=_NBUF)(body)

        for b in range(_NBUF):
            wait_scatter(_CHUNKS - _NBUF + b, b)

    return gather_kernel


_gather = _make_gather()


def kernel(x, tok_emb):
    idx = x.T.reshape(_NW, _CHUNKS, _K).astype(jnp.int32)
    out = _gather(idx, tok_emb)
    return out.reshape(SEQ, BATCH, HIDDEN_DIM).transpose(1, 0, 2)

# --- scband reference (transcript-rebuilt; emitter-appended) ---
"""Pipeline reference for scband-token-embedder-13915694039340 (READ-ONLY COPY).

The authoritative reference and input builder live on the scoring server;
editing this copy changes nothing except your own understanding.
"""

import jax, jax.numpy as jnp
import numpy as np

DICT_SIZE = 100000
HIDDEN_DIM = 128
BATCH = 4096
SEQ = 50

def setup_inputs(seed: int = 0) -> dict:
    key = jax.random.key(seed)
    k1, k2 = jax.random.split(key)
    x = jax.random.randint(k1, (BATCH, SEQ), 0, DICT_SIZE)
    # nn.Embedding default init: N(0, 1)
    tok_emb = jax.random.normal(k2, (DICT_SIZE, HIDDEN_DIM), dtype=jnp.float32)
    return {"x": x, "tok_emb": tok_emb}

def reference(x, tok_emb):
    # TokenEmbedder.forward: x = self.tok_emb(x)
    return jnp.take(tok_emb, x, axis=0)

if __name__ == "__main__":
    import jax
    _d = setup_inputs()
    print(jax.jit(kernel)(*tuple(_d.values())))

</pallas_src>

<mosaic_0001>
#map = affine_map<(d0, d1) -> (0, 0, 0)>
#map1 = affine_map<(d0, d1) -> (0, 0)>
module attributes {stable_mosaic.version = 14 : i64} {
  func.func @gather_kernel(%arg0: i32, %arg1: i32, %arg2: memref<32x50x128xi32, #tpu.memory_space<hbm>>, %arg3: memref<100000x128xf32, #tpu.memory_space<hbm>>, %arg4: memref<204800x128xf32, #tpu.memory_space<hbm>>, %arg5: memref<50x128xi32, #tpu.memory_space<vmem>>, %arg6: memref<5x128x128xf32, #tpu.memory_space<vmem>>, %arg7: memref<!tpu.dma_semaphore, #tpu.memory_space<semaphore_mem>>, %arg8: memref<!tpu.dma_semaphore, #tpu.memory_space<semaphore_mem>>, %arg9: memref<!tpu.dma_semaphore, #tpu.memory_space<semaphore_mem>>, %arg10: memref<!tpu.dma_semaphore, #tpu.memory_space<semaphore_mem>>, %arg11: memref<!tpu.dma_semaphore, #tpu.memory_space<semaphore_mem>>, %arg12: memref<!tpu.dma_semaphore, #tpu.memory_space<semaphore_mem>>, %arg13: memref<!tpu.dma_semaphore, #tpu.memory_space<semaphore_mem>>, %arg14: memref<!tpu.dma_semaphore, #tpu.memory_space<semaphore_mem>>, %arg15: memref<!tpu.dma_semaphore, #tpu.memory_space<semaphore_mem>>, %arg16: memref<!tpu.dma_semaphore, #tpu.memory_space<semaphore_mem>>) attributes {dimension_semantics = [#tpu.dimension_semantics<core_parallel>, #tpu.dimension_semantics<subcore_parallel>], iteration_bounds = array<i64: 2, 16>, scalar_prefetch = 0 : i64, scratch_operands = 12 : i64, tpu.core_type = #tpu.core_type<sc_vector_subcore>, window_params = [{transform_indices = #map}, {transform_indices = #map1}, {transform_indices = #map1}]} {
    %mul3A = arith.constant 2 : i32
    %mul3A_0 = arith.muli %arg1, %mul3A : i32
    %add3A = arith.addi %mul3A_0, %arg0 : i32
    %mul3A_1 = arith.constant 6400 : i32
    %mul3A_2 = arith.muli %add3A, %mul3A_1 : i32
    "tpu.region"() ({
      %run_scoped3A = tpu.sem_alloc : memref<!tpu.dma_semaphore, #tpu.memory_space<semaphore_mem>>
      %dma_start3A_92 = arith.constant 0 : i32
      %dma_start3A_93 = arith.constant 0 : i32
      %dma_start3A_94 = tpu.memref_slice %arg2[%add3A, %dma_start3A_92, %dma_start3A_93] : memref<32x50x128xi32, #tpu.memory_space<hbm>> -> memref<1x50x128xi32, #tpu.memory_space<hbm>>
      %dma_start3A_95 = tpu.memref_squeeze %dma_start3A_94 : memref<1x50x128xi32, #tpu.memory_space<hbm>> -> memref<50x128xi32, #tpu.memory_space<hbm>>
      %dma_start3A_96 = arith.constant 0 : i32
      %dma_start3A_97 = arith.constant 0 : i32
      %dma_start3A_98 = tpu.memref_slice %arg2[%add3A, %dma_start3A_96, %dma_start3A_97] : memref<32x50x128xi32, #tpu.memory_space<hbm>> -> memref<1x50x128xi32, #tpu.memory_space<hbm>>
      %dma_start3A_99 = tpu.memref_squeeze %dma_start3A_98 : memref<1x50x128xi32, #tpu.memory_space<hbm>> -> memref<50x128xi32, #tpu.memory_space<hbm>>
      tpu.enqueue_dma source(%dma_start3A_99 : memref<50x128xi32, #tpu.memory_space<hbm>>) target(%arg5 : memref<50x128xi32, #tpu.memory_space<vmem>>) target_semaphore(%run_scoped3A : memref<!tpu.dma_semaphore, #tpu.memory_space<semaphore_mem>>)
      %dma_wait3A_100 = arith.constant 0 : i32
      %dma_wait3A_101 = arith.constant 0 : i32
      %dma_wait3A_102 = tpu.memref_slice %arg2[%add3A, %dma_wait3A_100, %dma_wait3A_101] : memref<32x50x128xi32, #tpu.memory_space<hbm>> -> memref<1x50x128xi32, #tpu.memory_space<hbm>>
      %dma_wait3A_103 = tpu.memref_squeeze %dma_wait3A_102 : memref<1x50x128xi32, #tpu.memory_space<hbm>> -> memref<50x128xi32, #tpu.memory_space<hbm>>
      %dma_wait3A_104 = arith.constant 0 : i32
      %dma_wait3A_105 = arith.constant 0 : i32
      %dma_wait3A_106 = tpu.memref_slice %arg2[%add3A, %dma_wait3A_104, %dma_wait3A_105] : memref<32x50x128xi32, #tpu.memory_space<hbm>> -> memref<1x50x128xi32, #tpu.memory_space<hbm>>
      %dma_wait3A_107 = tpu.memref_squeeze %dma_wait3A_106 : memref<1x50x128xi32, #tpu.memory_space<hbm>> -> memref<50x128xi32, #tpu.memory_space<hbm>>
      tpu.wait_dma2 semaphore(%run_scoped3A : memref<!tpu.dma_semaphore, #tpu.memory_space<semaphore_mem>>) src(%dma_wait3A_107 : memref<50x128xi32, #tpu.memory_space<hbm>>) dst(%arg5 : memref<50x128xi32, #tpu.memory_space<vmem>>)
      tpu.yield
    }) : () -> ()
    %dma_start3A = arith.constant 0 : i32
    %dma_start3A_3 = arith.constant 0 : i32
    %dma_start3A_4 = arith.constant 0 : i32
    %dma_start3A_5 = arith.constant 0 : i32
    %dma_start3A_6 = tpu.memref_slice %arg6[%dma_start3A_3, %dma_start3A_4, %dma_start3A_5] : memref<5x128x128xf32, #tpu.memory_space<vmem>> -> memref<1x128x128xf32, #tpu.memory_space<vmem>>
    %dma_start3A_7 = tpu.memref_squeeze %dma_start3A_6 : memref<1x128x128xf32, #tpu.memory_space<vmem>> -> memref<128x128xf32, #tpu.memory_space<vmem>>
    %dma_start3A_8 = arith.constant 0 : i32
    %dma_start3A_9 = tpu.memref_slice %arg5[%dma_start3A, %dma_start3A_8] : memref<50x128xi32, #tpu.memory_space<vmem>> -> memref<1x128xi32, #tpu.memory_space<vmem>>
    %dma_start3A_10 = tpu.memref_squeeze %dma_start3A_9 : memref<1x128xi32, #tpu.memory_space<vmem>> -> memref<128xi32, #tpu.memory_space<vmem>>
    %dma_start3A_11 = arith.constant 0 : i32
    %dma_start3A_12 = arith.constant 0 : i32
    %dma_start3A_13 = tpu.memref_slice %arg3[%dma_start3A_11, %dma_start3A_12] : memref<100000x128xf32, #tpu.memory_space<hbm>> -> memref<100000x128xf32, #tpu.memory_space<hbm>>
    tpu.enqueue_indirect_dma source(%dma_start3A_13 : memref<100000x128xf32, #tpu.memory_space<hbm>>) target(%dma_start3A_7 : memref<128x128xf32, #tpu.memory_space<vmem>>) offsets(%dma_start3A_10 : memref<128xi32, #tpu.memory_space<vmem>>) semaphore(%arg7 : memref<!tpu.dma_semaphore, #tpu.memory_space<semaphore_mem>>)
    %scan3A = arith.constant 0 : i32
    %scan3A_14 = arith.constant 10 : i32
    %scan3A_15 = arith.addi %scan3A, %scan3A_14 : i32
    %scan3A_16 = arith.constant 1 : i32
    scf.for %scan3A_92 = %scan3A to %scan3A_15 step %scan3A_16  : i32 {
      %mul3A_93 = arith.constant 5 : i32
      %mul3A_94 = arith.muli %scan3A_92, %mul3A_93 : i32
      %add3A_95 = arith.constant 0 : i32
      %add3A_96 = arith.addi %add3A_95, %mul3A_94 : i32
      %add3A_97 = arith.constant 0 : i32
      %add3A_98 = arith.addi %add3A_96, %add3A_97 : i32
      %add3A_99 = arith.constant 1 : i32
      %add3A_100 = arith.addi %add3A_98, %add3A_99 : i32
      %lt3A = arith.constant 50 : i32
      %lt3A_101 = arith.cmpi slt, %add3A_100, %lt3A : i32
      %convert_element_type3A = arith.extui %lt3A_101 : i1 to i32
      %cond3A = arith.constant 0 : i32
      %cond3A_102 = arith.cmpi ne, %convert_element_type3A, %cond3A : i32
      scf.if %cond3A_102 {
        %ge3A = arith.constant 5 : i32
        %ge3A_274 = arith.cmpi sge, %add3A_100, %ge3A : i32
        %convert_element_type3A_275 = arith.extui %ge3A_274 : i1 to i32
        %cond3A_276 = arith.constant 0 : i32
        %cond3A_277 = arith.cmpi ne, %convert_element_type3A_275, %cond3A_276 : i32
        scf.if %cond3A_277 {
          %sub3A = arith.constant 5 : i32
          %sub3A_289 = arith.subi %add3A_100, %sub3A : i32
          %mul3A_290 = arith.constant 128 : i32
          %mul3A_291 = arith.muli %sub3A_289, %mul3A_290 : i32
          %add3A_292 = arith.addi %mul3A_2, %mul3A_291 : i32
          %dma_wait3A_293 = arith.constant 1 : i32
          %dma_wait3A_294 = arith.constant 0 : i32
          %dma_wait3A_295 = arith.constant 0 : i32
          %dma_wait3A_296 = tpu.memref_slice %arg6[%dma_wait3A_293, %dma_wait3A_294, %dma_wait3A_295] : memref<5x128x128xf32, #tpu.memory_space<vmem>> -> memref<1x128x128xf32, #tpu.memory_space<vmem>>
          %dma_wait3A_297 = tpu.memref_squeeze %dma_wait3A_296 : memref<1x128x128xf32, #tpu.memory_space<vmem>> -> memref<128x128xf32, #tpu.memory_space<vmem>>
          %dma_wait3A_298 = arith.constant 0 : i32
          %dma_wait3A_299 = tpu.memref_slice %arg4[%add3A_292, %dma_wait3A_298] : memref<204800x128xf32, #tpu.memory_space<hbm>> -> memref<128x128xf32, #tpu.memory_space<hbm>>
          %dma_wait3A_300 = arith.constant 0 : i32
          %dma_wait3A_301 = tpu.memref_slice %arg4[%add3A_292, %dma_wait3A_300] : memref<204800x128xf32, #tpu.memory_space<hbm>> -> memref<128x128xf32, #tpu.memory_space<hbm>>
          %dma_wait3A_302 = arith.constant 0 : i32
          %dma_wait3A_303 = arith.constant 0 : i32
          %dma_wait3A_304 = tpu.memref_slice %arg6[%dma_wait3A_293, %dma_wait3A_302, %dma_wait3A_303] : memref<5x128x128xf32, #tpu.memory_space<vmem>> -> memref<1x128x128xf32, #tpu.memory_space<vmem>>
          %dma_wait3A_305 = tpu.memref_squeeze %dma_wait3A_304 : memref<1x128x128xf32, #tpu.memory_space<vmem>> -> memref<128x128xf32, #tpu.memory_space<vmem>>
          tpu.wait_dma2 semaphore(%arg13 : memref<!tpu.dma_semaphore, #tpu.memory_space<semaphore_mem>>) src(%dma_wait3A_305 : memref<128x128xf32, #tpu.memory_space<vmem>>) dst(%dma_wait3A_301 : memref<128x128xf32, #tpu.memory_space<hbm>>)
        } else {
        }
        %dma_start3A_278 = arith.constant 1 : i32
        %dma_start3A_279 = arith.constant 0 : i32
        %dma_start3A_280 = arith.constant 0 : i32
        %dma_start3A_281 = tpu.memref_slice %arg6[%dma_start3A_278, %dma_start3A_279, %dma_start3A_280] : memref<5x128x128xf32, #tpu.memory_space<vmem>> -> memref<1x128x128xf32, #tpu.memory_space<vmem>>
        %dma_start3A_282 = tpu.memref_squeeze %dma_start3A_281 : memref<1x128x128xf32, #tpu.memory_space<vmem>> -> memref<128x128xf32, #tpu.memory_space<vmem>>
        %dma_start3A_283 = arith.constant 0 : i32
        %dma_start3A_284 = tpu.memref_slice %arg5[%add3A_100, %dma_start3A_283] : memref<50x128xi32, #tpu.memory_space<vmem>> -> memref<1x128xi32, #tpu.memory_space<vmem>>
        %dma_start3A_285 = tpu.memref_squeeze %dma_start3A_284 : memref<1x128xi32, #tpu.memory_space<vmem>> -> memref<128xi32, #tpu.memory_space<vmem>>
        %dma_start3A_286 = arith.constant 0 : i32
        %dma_start3A_287 = arith.constant 0 : i32
        %dma_start3A_288 = tpu.memref_slice %arg3[%dma_start3A_286, %dma_start3A_287] : memref<100000x128xf32, #tpu.memory_space<hbm>> -> memref<100000x128xf32, #tpu.memory_space<hbm>>
        tpu.enqueue_indirect_dma source(%dma_start3A_288 : memref<100000x128xf32, #tpu.memory_space<hbm>>) target(%dma_start3A_282 : memref<128x128xf32, #tpu.memory_space<vmem>>) offsets(%dma_start3A_285 : memref<128xi32, #tpu.memory_space<vmem>>) semaphore(%arg8 : memref<!tpu.dma_semaphore, #tpu.memory_space<semaphore_mem>>)
      } else {
      }
      %dma_wait3A_103 = arith.constant 0 : i32
      %dma_wait3A_104 = arith.constant 0 : i32
      %dma_wait3A_105 = arith.constant 0 : i32
      %dma_wait3A_106 = tpu.memref_slice %arg6[%dma_wait3A_103, %dma_wait3A_104, %dma_wait3A_105] : memref<5x128x128xf32, #tpu.memory_space<vmem>> -> memref<1x128x128xf32, #tpu.memory_space<vmem>>
      %dma_wait3A_107 = tpu.memref_squeeze %dma_wait3A_106 : memref<1x128x128xf32, #tpu.memory_space<vmem>> -> memref<128x128xf32, #tpu.memory_space<vmem>>
      %dma_wait3A_108 = arith.constant 0 : i32
      %dma_wait3A_109 = tpu.memref_slice %arg5[%add3A_98, %dma_wait3A_108] : memref<50x128xi32, #tpu.memory_space<vmem>> -> memref<1x128xi32, #tpu.memory_space<vmem>>
      %dma_wait3A_110 = tpu.memref_squeeze %dma_wait3A_109 : memref<1x128xi32, #tpu.memory_space<vmem>> -> memref<128xi32, #tpu.memory_space<vmem>>
      %dma_wait3A_111 = arith.constant 0 : i32
      %dma_wait3A_112 = arith.constant 0 : i32
      %dma_wait3A_113 = tpu.memref_slice %arg3[%dma_wait3A_111, %dma_wait3A_112] : memref<100000x128xf32, #tpu.memory_space<hbm>> -> memref<100000x128xf32, #tpu.memory_space<hbm>>
      tpu.wait_indirect_dma semaphore(%arg7 : memref<!tpu.dma_semaphore, #tpu.memory_space<semaphore_mem>>) src(%dma_wait3A_113 : memref<100000x128xf32, #tpu.memory_space<hbm>>) dst(%dma_wait3A_107 : memref<128x128xf32, #tpu.memory_space<vmem>>)
      %mul3A_114 = arith.constant 128 : i32
      %mul3A_115 = arith.muli %add3A_98, %mul3A_114 : i32
      %add3A_116 = arith.addi %mul3A_2, %mul3A_115 : i32
      %dma_start3A_117 = arith.constant 0 : i32
      %dma_start3A_118 = arith.constant 0 : i32
      %dma_start3A_119 = arith.constant 0 : i32
      %dma_start3A_120 = tpu.memref_slice %arg6[%dma_start3A_117, %dma_start3A_118, %dma_start3A_119] : memref<5x128x128xf32, #tpu.memory_space<vmem>> -> memref<1x128x128xf32, #tpu.memory_space<vmem>>
      %dma_start3A_121 = tpu.memref_squeeze %dma_start3A_120 : memref<1x128x128xf32, #tpu.memory_space<vmem>> -> memref<128x128xf32, #tpu.memory_space<vmem>>
      %dma_start3A_122 = arith.constant 0 : i32
      %dma_start3A_123 = tpu.memref_slice %arg4[%add3A_116, %dma_start3A_122] : memref<204800x128xf32, #tpu.memory_space<hbm>> -> memref<128x128xf32, #tpu.memory_space<hbm>>
      %dma_start3A_124 = arith.constant 0 : i32
      %dma_start3A_125 = tpu.memref_slice %arg4[%add3A_116, %dma_start3A_124] : memref<204800x128xf32, #tpu.memory_space<hbm>> -> memref<128x128xf32, #tpu.memory_space<hbm>>
      %dma_start3A_126 = arith.constant 0 : i32
      %dma_start3A_127 = arith.constant 0 : i32
      %dma_start3A_128 = tpu.memref_slice %arg6[%dma_start3A_117, %dma_start3A_126, %dma_start3A_127] : memref<5x128x128xf32, #tpu.memory_space<vmem>> -> memref<1x128x128xf32, #tpu.memory_space<vmem>>
      %dma_start3A_129 = tpu.memref_squeeze %dma_start3A_128 : memref<1x128x128xf32, #tpu.memory_space<vmem>> -> memref<128x128xf32, #tpu.memory_space<vmem>>
      tpu.enqueue_dma source(%dma_start3A_129 : memref<128x128xf32, #tpu.memory_space<vmem>>) target(%dma_start3A_125 : memref<128x128xf32, #tpu.memory_space<hbm>>) target_semaphore(%arg12 : memref<!tpu.dma_semaphore, #tpu.memory_space<semaphore_mem>>)
      %add3A_130 = arith.constant 1 : i32
      %add3A_131 = arith.addi %add3A_96, %add3A_130 : i32
      %add3A_132 = arith.constant 1 : i32
      %add3A_133 = arith.addi %add3A_131, %add3A_132 : i32
      %lt3A_134 = arith.constant 50 : i32
      %lt3A_135 = arith.cmpi slt, %add3A_133, %lt3A_134 : i32
      %convert_element_type3A_136 = arith.extui %lt3A_135 : i1 to i32
      %cond3A_137 = arith.constant 0 : i32
      %cond3A_138 = arith.cmpi ne, %convert_element_type3A_136, %cond3A_137 : i32
      scf.if %cond3A_138 {
        %ge3A = arith.constant 5 : i32
        %ge3A_274 = arith.cmpi sge, %add3A_133, %ge3A : i32
        %convert_element_type3A_275 = arith.extui %ge3A_274 : i1 to i32
        %cond3A_276 = arith.constant 0 : i32
        %cond3A_277 = arith.cmpi ne, %convert_element_type3A_275, %cond3A_276 : i32
        scf.if %cond3A_277 {
          %sub3A = arith.constant 5 : i32
          %sub3A_289 = arith.subi %add3A_133, %sub3A : i32
          %mul3A_290 = arith.constant 128 : i32
          %mul3A_291 = arith.muli %sub3A_289, %mul3A_290 : i32
          %add3A_292 = arith.addi %mul3A_2, %mul3A_291 : i32
          %dma_wait3A_293 = arith.constant 2 : i32
          %dma_wait3A_294 = arith.constant 0 : i32
          %dma_wait3A_295 = arith.constant 0 : i32
          %dma_wait3A_296 = tpu.memref_slice %arg6[%dma_wait3A_293, %dma_wait3A_294, %dma_wait3A_295] : memref<5x128x128xf32, #tpu.memory_space<vmem>> -> memref<1x128x128xf32, #tpu.memory_space<vmem>>
          %dma_wait3A_297 = tpu.memref_squeeze %dma_wait3A_296 : memref<1x128x128xf32, #tpu.memory_space<vmem>> -> memref<128x128xf32, #tpu.memory_space<vmem>>
          %dma_wait3A_298 = arith.constant 0 : i32
          %dma_wait3A_299 = tpu.memref_slice %arg4[%add3A_292, %dma_wait3A_298] : memref<204800x128xf32, #tpu.memory_space<hbm>> -> memref<128x128xf32, #tpu.memory_space<hbm>>
          %dma_wait3A_300 = arith.constant 0 : i32
          %dma_wait3A_301 = tpu.memref_slice %arg4[%add3A_292, %dma_wait3A_300] : memref<204800x128xf32, #tpu.memory_space<hbm>> -> memref<128x128xf32, #tpu.memory_space<hbm>>
          %dma_wait3A_302 = arith.constant 0 : i32
          %dma_wait3A_303 = arith.constant 0 : i32
          %dma_wait3A_304 = tpu.memref_slice %arg6[%dma_wait3A_293, %dma_wait3A_302, %dma_wait3A_303] : memref<5x128x128xf32, #tpu.memory_space<vmem>> -> memref<1x128x128xf32, #tpu.memory_space<vmem>>
          %dma_wait3A_305 = tpu.memref_squeeze %dma_wait3A_304 : memref<1x128x128xf32, #tpu.memory_space<vmem>> -> memref<128x128xf32, #tpu.memory_space<vmem>>
          tpu.wait_dma2 semaphore(%arg14 : memref<!tpu.dma_semaphore, #tpu.memory_space<semaphore_mem>>) src(%dma_wait3A_305 : memref<128x128xf32, #tpu.memory_space<vmem>>) dst(%dma_wait3A_301 : memref<128x128xf32, #tpu.memory_space<hbm>>)
        } else {
        }
        %dma_start3A_278 = arith.constant 2 : i32
        %dma_start3A_279 = arith.constant 0 : i32
        %dma_start3A_280 = arith.constant 0 : i32
        %dma_start3A_281 = tpu.memref_slice %arg6[%dma_start3A_278, %dma_start3A_279, %dma_start3A_280] : memref<5x128x128xf32, #tpu.memory_space<vmem>> -> memref<1x128x128xf32, #tpu.memory_space<vmem>>
        %dma_start3A_282 = tpu.memref_squeeze %dma_start3A_281 : memref<1x128x128xf32, #tpu.memory_space<vmem>> -> memref<128x128xf32, #tpu.memory_space<vmem>>
        %dma_start3A_283 = arith.constant 0 : i32
        %dma_start3A_284 = tpu.memref_slice %arg5[%add3A_133, %dma_start3A_283] : memref<50x128xi32, #tpu.memory_space<vmem>> -> memref<1x128xi32, #tpu.memory_space<vmem>>
        %dma_start3A_285 = tpu.memref_squeeze %dma_start3A_284 : memref<1x128xi32, #tpu.memory_space<vmem>> -> memref<128xi32, #tpu.memory_space<vmem>>
        %dma_start3A_286 = arith.constant 0 : i32
        %dma_start3A_287 = arith.constant 0 : i32
        %dma_start3A_288 = tpu.memref_slice %arg3[%dma_start3A_286, %dma_start3A_287] : memref<100000x128xf32, #tpu.memory_space<hbm>> -> memref<100000x128xf32, #tpu.memory_space<hbm>>
        tpu.enqueue_indirect_dma source(%dma_start3A_288 : memref<100000x128xf32, #tpu.memory_space<hbm>>) target(%dma_start3A_282 : memref<128x128xf32, #tpu.memory_space<vmem>>) offsets(%dma_start3A_285 : memref<128xi32, #tpu.memory_space<vmem>>) semaphore(%arg9 : memref<!tpu.dma_semaphore, #tpu.memory_space<semaphore_mem>>)
      } else {
      }
      %dma_wait3A_139 = arith.constant 1 : i32
      %dma_wait3A_140 = arith.constant 0 : i32
      %dma_wait3A_141 = arith.constant 0 : i32
      %dma_wait3A_142 = tpu.memref_slice %arg6[%dma_wait3A_139, %dma_wait3A_140, %dma_wait3A_141] : memref<5x128x128xf32, #tpu.memory_space<vmem>> -> memref<1x128x128xf32, #tpu.memory_space<vmem>>
      %dma_wait3A_143 = tpu.memref_squeeze %dma_wait3A_142 : memref<1x128x128xf32, #tpu.memory_space<vmem>> -> memref<128x128xf32, #tpu.memory_space<vmem>>
      %dma_wait3A_144 = arith.constant 0 : i32
      %dma_wait3A_145 = tpu.memref_slice %arg5[%add3A_131, %dma_wait3A_144] : memref<50x128xi32, #tpu.memory_space<vmem>> -> memref<1x128xi32, #tpu.memory_space<vmem>>
      %dma_wait3A_146 = tpu.memref_squeeze %dma_wait3A_145 : memref<1x128xi32, #tpu.memory_space<vmem>> -> memref<128xi32, #tpu.memory_space<vmem>>
      %dma_wait3A_147 = arith.constant 0 : i32
      %dma_wait3A_148 = arith.constant 0 : i32
      %dma_wait3A_149 = tpu.memref_slice %arg3[%dma_wait3A_147, %dma_wait3A_148] : memref<100000x128xf32, #tpu.memory_space<hbm>> -> memref<100000x128xf32, #tpu.memory_space<hbm>>
      tpu.wait_indirect_dma semaphore(%arg8 : memref<!tpu.dma_semaphore, #tpu.memory_space<semaphore_mem>>) src(%dma_wait3A_149 : memref<100000x128xf32, #tpu.memory_space<hbm>>) dst(%dma_wait3A_143 : memref<128x128xf32, #tpu.memory_space<vmem>>)
      %mul3A_150 = arith.constant 128 : i32
      %mul3A_151 = arith.muli %add3A_131, %mul3A_150 : i32
      %add3A_152 = arith.addi %mul3A_2, %mul3A_151 : i32
      %dma_start3A_153 = arith.constant 1 : i32
      %dma_start3A_154 = arith.constant 0 : i32
      %dma_start3A_155 = arith.constant 0 : i32
      %dma_start3A_156 = tpu.memref_slice %arg6[%dma_start3A_153, %dma_start3A_154, %dma_start3A_155] : memref<5x128x128xf32, #tpu.memory_space<vmem>> -> memref<1x128x128xf32, #tpu.memory_space<vmem>>
      %dma_start3A_157 = tpu.memref_squeeze %dma_start3A_156 : memref<1x128x128xf32, #tpu.memory_space<vmem>> -> memref<128x128xf32, #tpu.memory_space<vmem>>
      %dma_start3A_158 = arith.constant 0 : i32
      %dma_start3A_159 = tpu.memref_slice %arg4[%add3A_152, %dma_start3A_158] : memref<204800x128xf32, #tpu.memory_space<hbm>> -> memref<128x128xf32, #tpu.memory_space<hbm>>
      %dma_start3A_160 = arith.constant 0 : i32
      %dma_start3A_161 = tpu.memref_slice %arg4[%add3A_152, %dma_start3A_160] : memref<204800x128xf32, #tpu.memory_space<hbm>> -> memref<128x128xf32, #tpu.memory_space<hbm>>
      %dma_start3A_162 = arith.constant 0 : i32
      %dma_start3A_163 = arith.constant 0 : i32
      %dma_start3A_164 = tpu.memref_slice %arg6[%dma_start3A_153, %dma_start3A_162, %dma_start3A_163] : memref<5x128x128xf32, #tpu.memory_space<vmem>> -> memref<1x128x128xf32, #tpu.memory_space<vmem>>
      %dma_start3A_165 = tpu.memref_squeeze %dma_start3A_164 : memref<1x128x128xf32, #tpu.memory_space<vmem>> -> memref<128x128xf32, #tpu.memory_space<vmem>>
      tpu.enqueue_dma source(%dma_start3A_165 : memref<128x128xf32, #tpu.memory_space<vmem>>) target(%dma_start3A_161 : memref<128x128xf32, #tpu.memory_space<hbm>>) target_semaphore(%arg13 : memref<!tpu.dma_semaphore, #tpu.memory_space<semaphore_mem>>)
      %add3A_166 = arith.constant 2 : i32
      %add3A_167 = arith.addi %add3A_96, %add3A_166 : i32
      %add3A_168 = arith.constant 1 : i32
      %add3A_169 = arith.addi %add3A_167, %add3A_168 : i32
      %lt3A_170 = arith.constant 50 : i32
      %lt3A_171 = arith.cmpi slt, %add3A_169, %lt3A_170 : i32
      %convert_element_type3A_172 = arith.extui %lt3A_171 : i1 to i32
      %cond3A_173 = arith.constant 0 : i32
      %cond3A_174 = arith.cmpi ne, %convert_element_type3A_172, %cond3A_173 : i32
      scf.if %cond3A_174 {
        %ge3A = arith.constant 5 : i32
        %ge3A_274 = arith.cmpi sge, %add3A_169, %ge3A : i32
        %convert_element_type3A_275 = arith.extui %ge3A_274 : i1 to i32
        %cond3A_276 = arith.constant 0 : i32
        %cond3A_277 = arith.cmpi ne, %convert_element_type3A_275, %cond3A_276 : i32
        scf.if %cond3A_277 {
          %sub3A = arith.constant 5 : i32
          %sub3A_289 = arith.subi %add3A_169, %sub3A : i32
          %mul3A_290 = arith.constant 128 : i32
          %mul3A_291 = arith.muli %sub3A_289, %mul3A_290 : i32
          %add3A_292 = arith.addi %mul3A_2, %mul3A_291 : i32
          %dma_wait3A_293 = arith.constant 3 : i32
          %dma_wait3A_294 = arith.constant 0 : i32
          %dma_wait3A_295 = arith.constant 0 : i32
          %dma_wait3A_296 = tpu.memref_slice %arg6[%dma_wait3A_293, %dma_wait3A_294, %dma_wait3A_295] : memref<5x128x128xf32, #tpu.memory_space<vmem>> -> memref<1x128x128xf32, #tpu.memory_space<vmem>>
          %dma_wait3A_297 = tpu.memref_squeeze %dma_wait3A_296 : memref<1x128x128xf32, #tpu.memory_space<vmem>> -> memref<128x128xf32, #tpu.memory_space<vmem>>
          %dma_wait3A_298 = arith.constant 0 : i32
          %dma_wait3A_299 = tpu.memref_slice %arg4[%add3A_292, %dma_wait3A_298] : memref<204800x128xf32, #tpu.memory_space<hbm>> -> memref<128x128xf32, #tpu.memory_space<hbm>>
          %dma_wait3A_300 = arith.constant 0 : i32
          %dma_wait3A_301 = tpu.memref_slice %arg4[%add3A_292, %dma_wait3A_300] : memref<204800x128xf32, #tpu.memory_space<hbm>> -> memref<128x128xf32, #tpu.memory_space<hbm>>
          %dma_wait3A_302 = arith.constant 0 : i32
          %dma_wait3A_303 = arith.constant 0 : i32
          %dma_wait3A_304 = tpu.memref_slice %arg6[%dma_wait3A_293, %dma_wait3A_302, %dma_wait3A_303] : memref<5x128x128xf32, #tpu.memory_space<vmem>> -> memref<1x128x128xf32, #tpu.memory_space<vmem>>
          %dma_wait3A_305 = tpu.memref_squeeze %dma_wait3A_304 : memref<1x128x128xf32, #tpu.memory_space<vmem>> -> memref<128x128xf32, #tpu.memory_space<vmem>>
          tpu.wait_dma2 semaphore(%arg15 : memref<!tpu.dma_semaphore, #tpu.memory_space<semaphore_mem>>) src(%dma_wait3A_305 : memref<128x128xf32, #tpu.memory_space<vmem>>) dst(%dma_wait3A_301 : memref<128x128xf32, #tpu.memory_space<hbm>>)
        } else {
        }
        %dma_start3A_278 = arith.constant 3 : i32
        %dma_start3A_279 = arith.constant 0 : i32
        %dma_start3A_280 = arith.constant 0 : i32
        %dma_start3A_281 = tpu.memref_slice %arg6[%dma_start3A_278, %dma_start3A_279, %dma_start3A_280] : memref<5x128x128xf32, #tpu.memory_space<vmem>> -> memref<1x128x128xf32, #tpu.memory_space<vmem>>
        %dma_start3A_282 = tpu.memref_squeeze %dma_start3A_281 : memref<1x128x128xf32, #tpu.memory_space<vmem>> -> memref<128x128xf32, #tpu.memory_space<vmem>>
        %dma_start3A_283 = arith.constant 0 : i32
        %dma_start3A_284 = tpu.memref_slice %arg5[%add3A_169, %dma_start3A_283] : memref<50x128xi32, #tpu.memory_space<vmem>> -> memref<1x128xi32, #tpu.memory_space<vmem>>
        %dma_start3A_285 = tpu.memref_squeeze %dma_start3A_284 : memref<1x128xi32, #tpu.memory_space<vmem>> -> memref<128xi32, #tpu.memory_space<vmem>>
        %dma_start3A_286 = arith.constant 0 : i32
        %dma_start3A_287 = arith.constant 0 : i32
        %dma_start3A_288 = tpu.memref_slice %arg3[%dma_start3A_286, %dma_start3A_287] : memref<100000x128xf32, #tpu.memory_space<hbm>> -> memref<100000x128xf32, #tpu.memory_space<hbm>>
        tpu.enqueue_indirect_dma source(%dma_start3A_288 : memref<100000x128xf32, #tpu.memory_space<hbm>>) target(%dma_start3A_282 : memref<128x128xf32, #tpu.memory_space<vmem>>) offsets(%dma_start3A_285 : memref<128xi32, #tpu.memory_space<vmem>>) semaphore(%arg10 : memref<!tpu.dma_semaphore, #tpu.memory_space<semaphore_mem>>)
      } else {
      }
      %dma_wait3A_175 = arith.constant 2 : i32
      %dma_wait3A_176 = arith.constant 0 : i32
      %dma_wait3A_177 = arith.constant 0 : i32
      %dma_wait3A_178 = tpu.memref_slice %arg6[%dma_wait3A_175, %dma_wait3A_176, %dma_wait3A_177] : memref<5x128x128xf32, #tpu.memory_space<vmem>> -> memref<1x128x128xf32, #tpu.memory_space<vmem>>
      %dma_wait3A_179 = tpu.memref_squeeze %dma_wait3A_178 : memref<1x128x128xf32, #tpu.memory_space<vmem>> -> memref<128x128xf32, #tpu.memory_space<vmem>>
      %dma_wait3A_180 = arith.constant 0 : i32
      %dma_wait3A_181 = tpu.memref_slice %arg5[%add3A_167, %dma_wait3A_180] : memref<50x128xi32, #tpu.memory_space<vmem>> -> memref<1x128xi32, #tpu.memory_space<vmem>>
      %dma_wait3A_182 = tpu.memref_squeeze %dma_wait3A_181 : memref<1x128xi32, #tpu.memory_space<vmem>> -> memref<128xi32, #tpu.memory_space<vmem>>
      %dma_wait3A_183 = arith.constant 0 : i32
      %dma_wait3A_184 = arith.constant 0 : i32
      %dma_wait3A_185 = tpu.memref_slice %arg3[%dma_wait3A_183, %dma_wait3A_184] : memref<100000x128xf32, #tpu.memory_space<hbm>> -> memref<100000x128xf32, #tpu.memory_space<hbm>>
      tpu.wait_indirect_dma semaphore(%arg9 : memref<!tpu.dma_semaphore, #tpu.memory_space<semaphore_mem>>) src(%dma_wait3A_185 : memref<100000x128xf32, #tpu.memory_space<hbm>>) dst(%dma_wait3A_179 : memref<128x128xf32, #tpu.memory_space<vmem>>)
      %mul3A_186 = arith.constant 128 : i32
      %mul3A_187 = arith.muli %add3A_167, %mul3A_186 : i32
      %add3A_188 = arith.addi %mul3A_2, %mul3A_187 : i32
      %dma_start3A_189 = arith.constant 2 : i32
      %dma_start3A_190 = arith.constant 0 : i32
      %dma_start3A_191 = arith.constant 0 : i32
      %dma_start3A_192 = tpu.memref_slice %arg6[%dma_start3A_189, %dma_start3A_190, %dma_start3A_191] : memref<5x128x128xf32, #tpu.memory_space<vmem>> -> memref<1x128x128xf32, #tpu.memory_space<vmem>>
      %dma_start3A_193 = tpu.memref_squeeze %dma_start3A_192 : memref<1x128x128xf32, #tpu.memory_space<vmem>> -> memref<128x128xf32, #tpu.memory_space<vmem>>
      %dma_start3A_194 = arith.constant 0 : i32
      %dma_start3A_195 = tpu.memref_slice %arg4[%add3A_188, %dma_start3A_194] : memref<204800x128xf32, #tpu.memory_space<hbm>> -> memref<128x128xf32, #tpu.memory_space<hbm>>
      %dma_start3A_196 = arith.constant 0 : i32
      %dma_start3A_197 = tpu.memref_slice %arg4[%add3A_188, %dma_start3A_196] : memref<204800x128xf32, #tpu.memory_space<hbm>> -> memref<128x128xf32, #tpu.memory_space<hbm>>
      %dma_start3A_198 = arith.constant 0 : i32
      %dma_start3A_199 = arith.constant 0 : i32
      %dma_start3A_200 = tpu.memref_slice %arg6[%dma_start3A_189, %dma_start3A_198, %dma_start3A_199] : memref<5x128x128xf32, #tpu.memory_space<vmem>> -> memref<1x128x128xf32, #tpu.memory_space<vmem>>
      %dma_start3A_201 = tpu.memref_squeeze %dma_start3A_200 : memref<1x128x128xf32, #tpu.memory_space<vmem>> -> memref<128x128xf32, #tpu.memory_space<vmem>>
      tpu.enqueue_dma source(%dma_start3A_201 : memref<128x128xf32, #tpu.memory_space<vmem>>) target(%dma_start3A_197 : memref<128x128xf32, #tpu.memory_space<hbm>>) target_semaphore(%arg14 : memref<!tpu.dma_semaphore, #tpu.memory_space<semaphore_mem>>)
      %add3A_202 = arith.constant 3 : i32
      %add3A_203 = arith.addi %add3A_96, %add3A_202 : i32
      %add3A_204 = arith.constant 1 : i32
      %add3A_205 = arith.addi %add3A_203, %add3A_204 : i32
      %lt3A_206 = arith.constant 50 : i32
      %lt3A_207 = arith.cmpi slt, %add3A_205, %lt3A_206 : i32
      %convert_element_type3A_208 = arith.extui %lt3A_207 : i1 to i32
      %cond3A_209 = arith.constant 0 : i32
      %cond3A_210 = arith.cmpi ne, %convert_element_type3A_208, %cond3A_209 : i32
      scf.if %cond3A_210 {
        %ge3A = arith.constant 5 : i32
        %ge3A_274 = arith.cmpi sge, %add3A_205, %ge3A : i32
        %convert_element_type3A_275 = arith.extui %ge3A_274 : i1 to i32
        %cond3A_276 = arith.constant 0 : i32
        %cond3A_277 = arith.cmpi ne, %convert_element_type3A_275, %cond3A_276 : i32
        scf.if %cond3A_277 {
          %sub3A = arith.constant 5 : i32
          %sub3A_289 = arith.subi %add3A_205, %sub3A : i32
          %mul3A_290 = arith.constant 128 : i32
          %mul3A_291 = arith.muli %sub3A_289, %mul3A_290 : i32
          %add3A_292 = arith.addi %mul3A_2, %mul3A_291 : i32
          %dma_wait3A_293 = arith.constant 4 : i32
          %dma_wait3A_294 = arith.constant 0 : i32
          %dma_wait3A_295 = arith.constant 0 : i32
          %dma_wait3A_296 = tpu.memref_slice %arg6[%dma_wait3A_293, %dma_wait3A_294, %dma_wait3A_295] : memref<5x128x128xf32, #tpu.memory_space<vmem>> -> memref<1x128x128xf32, #tpu.memory_space<vmem>>
          %dma_wait3A_297 = tpu.memref_squeeze %dma_wait3A_296 : memref<1x128x128xf32, #tpu.memory_space<vmem>> -> memref<128x128xf32, #tpu.memory_space<vmem>>
          %dma_wait3A_298 = arith.constant 0 : i32
          %dma_wait3A_299 = tpu.memref_slice %arg4[%add3A_292, %dma_wait3A_298] : memref<204800x128xf32, #tpu.memory_space<hbm>> -> memref<128x128xf32, #tpu.memory_space<hbm>>
          %dma_wait3A_300 = arith.constant 0 : i32
          %dma_wait3A_301 = tpu.memref_slice %arg4[%add3A_292, %dma_wait3A_300] : memref<204800x128xf32, #tpu.memory_space<hbm>> -> memref<128x128xf32, #tpu.memory_space<hbm>>
          %dma_wait3A_302 = arith.constant 0 : i32
          %dma_wait3A_303 = arith.constant 0 : i32
          %dma_wait3A_304 = tpu.memref_slice %arg6[%dma_wait3A_293, %dma_wait3A_302, %dma_wait3A_303] : memref<5x128x128xf32, #tpu.memory_space<vmem>> -> memref<1x128x128xf32, #tpu.memory_space<vmem>>
          %dma_wait3A_305 = tpu.memref_squeeze %dma_wait3A_304 : memref<1x128x128xf32, #tpu.memory_space<vmem>> -> memref<128x128xf32, #tpu.memory_space<vmem>>
          tpu.wait_dma2 semaphore(%arg16 : memref<!tpu.dma_semaphore, #tpu.memory_space<semaphore_mem>>) src(%dma_wait3A_305 : memref<128x128xf32, #tpu.memory_space<vmem>>) dst(%dma_wait3A_301 : memref<128x128xf32, #tpu.memory_space<hbm>>)
        } else {
        }
        %dma_start3A_278 = arith.constant 4 : i32
        %dma_start3A_279 = arith.constant 0 : i32
        %dma_start3A_280 = arith.constant 0 : i32
        %dma_start3A_281 = tpu.memref_slice %arg6[%dma_start3A_278, %dma_start3A_279, %dma_start3A_280] : memref<5x128x128xf32, #tpu.memory_space<vmem>> -> memref<1x128x128xf32, #tpu.memory_space<vmem>>
        %dma_start3A_282 = tpu.memref_squeeze %dma_start3A_281 : memref<1x128x128xf32, #tpu.memory_space<vmem>> -> memref<128x128xf32, #tpu.memory_space<vmem>>
        %dma_start3A_283 = arith.constant 0 : i32
        %dma_start3A_284 = tpu.memref_slice %arg5[%add3A_205, %dma_start3A_283] : memref<50x128xi32, #tpu.memory_space<vmem>> -> memref<1x128xi32, #tpu.memory_space<vmem>>
        %dma_start3A_285 = tpu.memref_squeeze %dma_start3A_284 : memref<1x128xi32, #tpu.memory_space<vmem>> -> memref<128xi32, #tpu.memory_space<vmem>>
        %dma_start3A_286 = arith.constant 0 : i32
        %dma_start3A_287 = arith.constant 0 : i32
        %dma_start3A_288 = tpu.memref_slice %arg3[%dma_start3A_286, %dma_start3A_287] : memref<100000x128xf32, #tpu.memory_space<hbm>> -> memref<100000x128xf32, #tpu.memory_space<hbm>>
        tpu.enqueue_indirect_dma source(%dma_start3A_288 : memref<100000x128xf32, #tpu.memory_space<hbm>>) target(%dma_start3A_282 : memref<128x128xf32, #tpu.memory_space<vmem>>) offsets(%dma_start3A_285 : memref<128xi32, #tpu.memory_space<vmem>>) semaphore(%arg11 : memref<!tpu.dma_semaphore, #tpu.memory_space<semaphore_mem>>)
      } else {
      }
      %dma_wait3A_211 = arith.constant 3 : i32
      %dma_wait3A_212 = arith.constant 0 : i32
      %dma_wait3A_213 = arith.constant 0 : i32
      %dma_wait3A_214 = tpu.memref_slice %arg6[%dma_wait3A_211, %dma_wait3A_212, %dma_wait3A_213] : memref<5x128x128xf32, #tpu.memory_space<vmem>> -> memref<1x128x128xf32, #tpu.memory_space<vmem>>
      %dma_wait3A_215 = tpu.memref_squeeze %dma_wait3A_214 : memref<1x128x128xf32, #tpu.memory_space<vmem>> -> memref<128x128xf32, #tpu.memory_space<vmem>>
      %dma_wait3A_216 = arith.constant 0 : i32
      %dma_wait3A_217 = tpu.memref_slice %arg5[%add3A_203, %dma_wait3A_216] : memref<50x128xi32, #tpu.memory_space<vmem>> -> memref<1x128xi32, #tpu.memory_space<vmem>>
      %dma_wait3A_218 = tpu.memref_squeeze %dma_wait3A_217 : memref<1x128xi32, #tpu.memory_space<vmem>> -> memref<128xi32, #tpu.memory_space<vmem>>
      %dma_wait3A_219 = arith.constant 0 : i32
      %dma_wait3A_220 = arith.constant 0 : i32
      %dma_wait3A_221 = tpu.memref_slice %arg3[%dma_wait3A_219, %dma_wait3A_220] : memref<100000x128xf32, #tpu.memory_space<hbm>> -> memref<100000x128xf32, #tpu.memory_space<hbm>>
      tpu.wait_indirect_dma semaphore(%arg10 : memref<!tpu.dma_semaphore, #tpu.memory_space<semaphore_mem>>) src(%dma_wait3A_221 : memref<100000x128xf32, #tpu.memory_space<hbm>>) dst(%dma_wait3A_215 : memref<128x128xf32, #tpu.memory_space<vmem>>)
      %mul3A_222 = arith.constant 128 : i32
      %mul3A_223 = arith.muli %add3A_203, %mul3A_222 : i32
      %add3A_224 = arith.addi %mul3A_2, %mul3A_223 : i32
      %dma_start3A_225 = arith.constant 3 : i32
      %dma_start3A_226 = arith.constant 0 : i32
      %dma_start3A_227 = arith.constant 0 : i32
      %dma_start3A_228 = tpu.memref_slice %arg6[%dma_start3A_225, %dma_start3A_226, %dma_start3A_227] : memref<5x128x128xf32, #tpu.memory_space<vmem>> -> memref<1x128x128xf32, #tpu.memory_space<vmem>>
      %dma_start3A_229 = tpu.memref_squeeze %dma_start3A_228 : memref<1x128x128xf32, #tpu.memory_space<vmem>> -> memref<128x128xf32, #tpu.memory_space<vmem>>
      %dma_start3A_230 = arith.constant 0 : i32
      %dma_start3A_231 = tpu.memref_slice %arg4[%add3A_224, %dma_start3A_230] : memref<204800x128xf32, #tpu.memory_space<hbm>> -> memref<128x128xf32, #tpu.memory_space<hbm>>
      %dma_start3A_232 = arith.constant 0 : i32
      %dma_start3A_233 = tpu.memref_slice %arg4[%add3A_224, %dma_start3A_232] : memref<204800x128xf32, #tpu.memory_space<hbm>> -> memref<128x128xf32, #tpu.memory_space<hbm>>
      %dma_start3A_234 = arith.constant 0 : i32
      %dma_start3A_235 = arith.constant 0 : i32
      %dma_start3A_236 = tpu.memref_slice %arg6[%dma_start3A_225, %dma_start3A_234, %dma_start3A_235] : memref<5x128x128xf32, #tpu.memory_space<vmem>> -> memref<1x128x128xf32, #tpu.memory_space<vmem>>
      %dma_start3A_237 = tpu.memref_squeeze %dma_start3A_236 : memref<1x128x128xf32, #tpu.memory_space<vmem>> -> memref<128x128xf32, #tpu.memory_space<vmem>>
      tpu.enqueue_dma source(%dma_start3A_237 : memref<128x128xf32, #tpu.memory_space<vmem>>) target(%dma_start3A_233 : memref<128x128xf32, #tpu.memory_space<hbm>>) target_semaphore(%arg15 : memref<!tpu.dma_semaphore, #tpu.memory_space<semaphore_mem>>)
      %add3A_238 = arith.constant 4 : i32
      %add3A_239 = arith.addi %add3A_96, %add3A_238 : i32
      %add3A_240 = arith.constant 1 : i32
      %add3A_241 = arith.addi %add3A_239, %add3A_240 : i32
      %lt3A_242 = arith.constant 50 : i32
      %lt3A_243 = arith.cmpi slt, %add3A_241, %lt3A_242 : i32
      %convert_element_type3A_244 = arith.extui %lt3A_243 : i1 to i32
      %cond3A_245 = arith.constant 0 : i32
      %cond3A_246 = arith.cmpi ne, %convert_element_type3A_244, %cond3A_245 : i32
      scf.if %cond3A_246 {
        %ge3A = arith.constant 5 : i32
        %ge3A_274 = arith.cmpi sge, %add3A_241, %ge3A : i32
        %convert_element_type3A_275 = arith.extui %ge3A_274 : i1 to i32
        %cond3A_276 = arith.constant 0 : i32
        %cond3A_277 = arith.cmpi ne, %convert_element_type3A_275, %cond3A_276 : i32
        scf.if %cond3A_277 {
          %sub3A = arith.constant 5 : i32
          %sub3A_289 = arith.subi %add3A_241, %sub3A : i32
          %mul3A_290 = arith.constant 128 : i32
          %mul3A_291 = arith.muli %sub3A_289, %mul3A_290 : i32
          %add3A_292 = arith.addi %mul3A_2, %mul3A_291 : i32
          %dma_wait3A_293 = arith.constant 0 : i32
          %dma_wait3A_294 = arith.constant 0 : i32
          %dma_wait3A_295 = arith.constant 0 : i32
          %dma_wait3A_296 = tpu.memref_slice %arg6[%dma_wait3A_293, %dma_wait3A_294, %dma_wait3A_295] : memref<5x128x128xf32, #tpu.memory_space<vmem>> -> memref<1x128x128xf32, #tpu.memory_space<vmem>>
          %dma_wait3A_297 = tpu.memref_squeeze %dma_wait3A_296 : memref<1x128x128xf32, #tpu.memory_space<vmem>> -> memref<128x128xf32, #tpu.memory_space<vmem>>
          %dma_wait3A_298 = arith.constant 0 : i32
          %dma_wait3A_299 = tpu.memref_slice %arg4[%add3A_292, %dma_wait3A_298] : memref<204800x128xf32, #tpu.memory_space<hbm>> -> memref<128x128xf32, #tpu.memory_space<hbm>>
          %dma_wait3A_300 = arith.constant 0 : i32
          %dma_wait3A_301 = tpu.memref_slice %arg4[%add3A_292, %dma_wait3A_300] : memref<204800x128xf32, #tpu.memory_space<hbm>> -> memref<128x128xf32, #tpu.memory_space<hbm>>
          %dma_wait3A_302 = arith.constant 0 : i32
          %dma_wait3A_303 = arith.constant 0 : i32
          %dma_wait3A_304 = tpu.memref_slice %arg6[%dma_wait3A_293, %dma_wait3A_302, %dma_wait3A_303] : memref<5x128x128xf32, #tpu.memory_space<vmem>> -> memref<1x128x128xf32, #tpu.memory_space<vmem>>
          %dma_wait3A_305 = tpu.memref_squeeze %dma_wait3A_304 : memref<1x128x128xf32, #tpu.memory_space<vmem>> -> memref<128x128xf32, #tpu.memory_space<vmem>>
          tpu.wait_dma2 semaphore(%arg12 : memref<!tpu.dma_semaphore, #tpu.memory_space<semaphore_mem>>) src(%dma_wait3A_305 : memref<128x128xf32, #tpu.memory_space<vmem>>) dst(%dma_wait3A_301 : memref<128x128xf32, #tpu.memory_space<hbm>>)
        } else {
        }
        %dma_start3A_278 = arith.constant 0 : i32
        %dma_start3A_279 = arith.constant 0 : i32
        %dma_start3A_280 = arith.constant 0 : i32
        %dma_start3A_281 = tpu.memref_slice %arg6[%dma_start3A_278, %dma_start3A_279, %dma_start3A_280] : memref<5x128x128xf32, #tpu.memory_space<vmem>> -> memref<1x128x128xf32, #tpu.memory_space<vmem>>
        %dma_start3A_282 = tpu.memref_squeeze %dma_start3A_281 : memref<1x128x128xf32, #tpu.memory_space<vmem>> -> memref<128x128xf32, #tpu.memory_space<vmem>>
        %dma_start3A_283 = arith.constant 0 : i32
        %dma_start3A_284 = tpu.memref_slice %arg5[%add3A_241, %dma_start3A_283] : memref<50x128xi32, #tpu.memory_space<vmem>> -> memref<1x128xi32, #tpu.memory_space<vmem>>
        %dma_start3A_285 = tpu.memref_squeeze %dma_start3A_284 : memref<1x128xi32, #tpu.memory_space<vmem>> -> memref<128xi32, #tpu.memory_space<vmem>>
        %dma_start3A_286 = arith.constant 0 : i32
        %dma_start3A_287 = arith.constant 0 : i32
        %dma_start3A_288 = tpu.memref_slice %arg3[%dma_start3A_286, %dma_start3A_287] : memref<100000x128xf32, #tpu.memory_space<hbm>> -> memref<100000x128xf32, #tpu.memory_space<hbm>>
        tpu.enqueue_indirect_dma source(%dma_start3A_288 : memref<100000x128xf32, #tpu.memory_space<hbm>>) target(%dma_start3A_282 : memref<128x128xf32, #tpu.memory_space<vmem>>) offsets(%dma_start3A_285 : memref<128xi32, #tpu.memory_space<vmem>>) semaphore(%arg7 : memref<!tpu.dma_semaphore, #tpu.memory_space<semaphore_mem>>)
      } else {
      }
      %dma_wait3A_247 = arith.constant 4 : i32
      %dma_wait3A_248 = arith.constant 0 : i32
      %dma_wait3A_249 = arith.constant 0 : i32
      %dma_wait3A_250 = tpu.memref_slice %arg6[%dma_wait3A_247, %dma_wait3A_248, %dma_wait3A_249] : memref<5x128x128xf32, #tpu.memory_space<vmem>> -> memref<1x128x128xf32, #tpu.memory_space<vmem>>
      %dma_wait3A_251 = tpu.memref_squeeze %dma_wait3A_250 : memref<1x128x128xf32, #tpu.memory_space<vmem>> -> memref<128x128xf32, #tpu.memory_space<vmem>>
      %dma_wait3A_252 = arith.constant 0 : i32
      %dma_wait3A_253 = tpu.memref_slice %arg5[%add3A_239, %dma_wait3A_252] : memref<50x128xi32, #tpu.memory_space<vmem>> -> memref<1x128xi32, #tpu.memory_space<vmem>>
      %dma_wait3A_254 = tpu.memref_squeeze %dma_wait3A_253 : memref<1x128xi32, #tpu.memory_space<vmem>> -> memref<128xi32, #tpu.memory_space<vmem>>
      %dma_wait3A_255 = arith.constant 0 : i32
      %dma_wait3A_256 = arith.constant 0 : i32
      %dma_wait3A_257 = tpu.memref_slice %arg3[%dma_wait3A_255, %dma_wait3A_256] : memref<100000x128xf32, #tpu.memory_space<hbm>> -> memref<100000x128xf32, #tpu.memory_space<hbm>>
      tpu.wait_indirect_dma semaphore(%arg11 : memref<!tpu.dma_semaphore, #tpu.memory_space<semaphore_mem>>) src(%dma_wait3A_257 : memref<100000x128xf32, #tpu.memory_space<hbm>>) dst(%dma_wait3A_251 : memref<128x128xf32, #tpu.memory_space<vmem>>)
      %mul3A_258 = arith.constant 128 : i32
      %mul3A_259 = arith.muli %add3A_239, %mul3A_258 : i32
      %add3A_260 = arith.addi %mul3A_2, %mul3A_259 : i32
      %dma_start3A_261 = arith.constant 4 : i32
      %dma_start3A_262 = arith.constant 0 : i32
      %dma_start3A_263 = arith.constant 0 : i32
      %dma_start3A_264 = tpu.memref_slice %arg6[%dma_start3A_261, %dma_start3A_262, %dma_start3A_263] : memref<5x128x128xf32, #tpu.memory_space<vmem>> -> memref<1x128x128xf32, #tpu.memory_space<vmem>>
      %dma_start3A_265 = tpu.memref_squeeze %dma_start3A_264 : memref<1x128x128xf32, #tpu.memory_space<vmem>> -> memref<128x128xf32, #tpu.memory_space<vmem>>
      %dma_start3A_266 = arith.constant 0 : i32
      %dma_start3A_267 = tpu.memref_slice %arg4[%add3A_260, %dma_start3A_266] : memref<204800x128xf32, #tpu.memory_space<hbm>> -> memref<128x128xf32, #tpu.memory_space<hbm>>
      %dma_start3A_268 = arith.constant 0 : i32
      %dma_start3A_269 = tpu.memref_slice %arg4[%add3A_260, %dma_start3A_268] : memref<204800x128xf32, #tpu.memory_space<hbm>> -> memref<128x128xf32, #tpu.memory_space<hbm>>
      %dma_start3A_270 = arith.constant 0 : i32
      %dma_start3A_271 = arith.constant 0 : i32
      %dma_start3A_272 = tpu.memref_slice %arg6[%dma_start3A_261, %dma_start3A_270, %dma_start3A_271] : memref<5x128x128xf32, #tpu.memory_space<vmem>> -> memref<1x128x128xf32, #tpu.memory_space<vmem>>
      %dma_start3A_273 = tpu.memref_squeeze %dma_start3A_272 : memref<1x128x128xf32, #tpu.memory_space<vmem>> -> memref<128x128xf32, #tpu.memory_space<vmem>>
      tpu.enqueue_dma source(%dma_start3A_273 : memref<128x128xf32, #tpu.memory_space<vmem>>) target(%dma_start3A_269 : memref<128x128xf32, #tpu.memory_space<hbm>>) target_semaphore(%arg16 : memref<!tpu.dma_semaphore, #tpu.memory_space<semaphore_mem>>)
    }
    %scan3A_17 = arith.constant 10 : i32
    %add3A_18 = arith.constant 5760 : i32
    %add3A_19 = arith.addi %mul3A_2, %add3A_18 : i32
    %dma_wait3A = arith.constant 0 : i32
    %dma_wait3A_20 = arith.constant 0 : i32
    %dma_wait3A_21 = arith.constant 0 : i32
    %dma_wait3A_22 = tpu.memref_slice %arg6[%dma_wait3A, %dma_wait3A_20, %dma_wait3A_21] : memref<5x128x128xf32, #tpu.memory_space<vmem>> -> memref<1x128x128xf32, #tpu.memory_space<vmem>>
    %dma_wait3A_23 = tpu.memref_squeeze %dma_wait3A_22 : memref<1x128x128xf32, #tpu.memory_space<vmem>> -> memref<128x128xf32, #tpu.memory_space<vmem>>
    %dma_wait3A_24 = arith.constant 0 : i32
    %dma_wait3A_25 = tpu.memref_slice %arg4[%add3A_19, %dma_wait3A_24] : memref<204800x128xf32, #tpu.memory_space<hbm>> -> memref<128x128xf32, #tpu.memory_space<hbm>>
    %dma_wait3A_26 = arith.constant 0 : i32
    %dma_wait3A_27 = tpu.memref_slice %arg4[%add3A_19, %dma_wait3A_26] : memref<204800x128xf32, #tpu.memory_space<hbm>> -> memref<128x128xf32, #tpu.memory_space<hbm>>
    %dma_wait3A_28 = arith.constant 0 : i32
    %dma_wait3A_29 = arith.constant 0 : i32
    %dma_wait3A_30 = tpu.memref_slice %arg6[%dma_wait3A, %dma_wait3A_28, %dma_wait3A_29] : memref<5x128x128xf32, #tpu.memory_space<vmem>> -> memref<1x128x128xf32, #tpu.memory_space<vmem>>
    %dma_wait3A_31 = tpu.memref_squeeze %dma_wait3A_30 : memref<1x128x128xf32, #tpu.memory_space<vmem>> -> memref<128x128xf32, #tpu.memory_space<vmem>>
    tpu.wait_dma2 semaphore(%arg12 : memref<!tpu.dma_semaphore, #tpu.memory_space<semaphore_mem>>) src(%dma_wait3A_31 : memref<128x128xf32, #tpu.memory_space<vmem>>) dst(%dma_wait3A_27 : memref<128x128xf32, #tpu.memory_space<hbm>>)
    %add3A_32 = arith.constant 5888 : i32
    %add3A_33 = arith.addi %mul3A_2, %add3A_32 : i32
    %dma_wait3A_34 = arith.constant 1 : i32
    %dma_wait3A_35 = arith.constant 0 : i32
    %dma_wait3A_36 = arith.constant 0 : i32
    %dma_wait3A_37 = tpu.memref_slice %arg6[%dma_wait3A_34, %dma_wait3A_35, %dma_wait3A_36] : memref<5x128x128xf32, #tpu.memory_space<vmem>> -> memref<1x128x128xf32, #tpu.memory_space<vmem>>
    %dma_wait3A_38 = tpu.memref_squeeze %dma_wait3A_37 : memref<1x128x128xf32, #tpu.memory_space<vmem>> -> memref<128x128xf32, #tpu.memory_space<vmem>>
    %dma_wait3A_39 = arith.constant 0 : i32
    %dma_wait3A_40 = tpu.memref_slice %arg4[%add3A_33, %dma_wait3A_39] : memref<204800x128xf32, #tpu.memory_space<hbm>> -> memref<128x128xf32, #tpu.memory_space<hbm>>
    %dma_wait3A_41 = arith.constant 0 : i32
    %dma_wait3A_42 = tpu.memref_slice %arg4[%add3A_33, %dma_wait3A_41] : memref<204800x128xf32, #tpu.memory_space<hbm>> -> memref<128x128xf32, #tpu.memory_space<hbm>>
    %dma_wait3A_43 = arith.constant 0 : i32
    %dma_wait3A_44 = arith.constant 0 : i32
    %dma_wait3A_45 = tpu.memref_slice %arg6[%dma_wait3A_34, %dma_wait3A_43, %dma_wait3A_44] : memref<5x128x128xf32, #tpu.memory_space<vmem>> -> memref<1x128x128xf32, #tpu.memory_space<vmem>>
    %dma_wait3A_46 = tpu.memref_squeeze %dma_wait3A_45 : memref<1x128x128xf32, #tpu.memory_space<vmem>> -> memref<128x128xf32, #tpu.memory_space<vmem>>
    tpu.wait_dma2 semaphore(%arg13 : memref<!tpu.dma_semaphore, #tpu.memory_space<semaphore_mem>>) src(%dma_wait3A_46 : memref<128x128xf32, #tpu.memory_space<vmem>>) dst(%dma_wait3A_42 : memref<128x128xf32, #tpu.memory_space<hbm>>)
    %add3A_47 = arith.constant 6016 : i32
    %add3A_48 = arith.addi %mul3A_2, %add3A_47 : i32
    %dma_wait3A_49 = arith.constant 2 : i32
    %dma_wait3A_50 = arith.constant 0 : i32
    %dma_wait3A_51 = arith.constant 0 : i32
    %dma_wait3A_52 = tpu.memref_slice %arg6[%dma_wait3A_49, %dma_wait3A_50, %dma_wait3A_51] : memref<5x128x128xf32, #tpu.memory_space<vmem>> -> memref<1x128x128xf32, #tpu.memory_space<vmem>>
    %dma_wait3A_53 = tpu.memref_squeeze %dma_wait3A_52 : memref<1x128x128xf32, #tpu.memory_space<vmem>> -> memref<128x128xf32, #tpu.memory_space<vmem>>
    %dma_wait3A_54 = arith.constant 0 : i32
    %dma_wait3A_55 = tpu.memref_slice %arg4[%add3A_48, %dma_wait3A_54] : memref<204800x128xf32, #tpu.memory_space<hbm>> -> memref<128x128xf32, #tpu.memory_space<hbm>>
    %dma_wait3A_56 = arith.constant 0 : i32
    %dma_wait3A_57 = tpu.memref_slice %arg4[%add3A_48, %dma_wait3A_56] : memref<204800x128xf32, #tpu.memory_space<hbm>> -> memref<128x128xf32, #tpu.memory_space<hbm>>
    %dma_wait3A_58 = arith.constant 0 : i32
    %dma_wait3A_59 = arith.constant 0 : i32
    %dma_wait3A_60 = tpu.memref_slice %arg6[%dma_wait3A_49, %dma_wait3A_58, %dma_wait3A_59] : memref<5x128x128xf32, #tpu.memory_space<vmem>> -> memref<1x128x128xf32, #tpu.memory_space<vmem>>
    %dma_wait3A_61 = tpu.memref_squeeze %dma_wait3A_60 : memref<1x128x128xf32, #tpu.memory_space<vmem>> -> memref<128x128xf32, #tpu.memory_space<vmem>>
    tpu.wait_dma2 semaphore(%arg14 : memref<!tpu.dma_semaphore, #tpu.memory_space<semaphore_mem>>) src(%dma_wait3A_61 : memref<128x128xf32, #tpu.memory_space<vmem>>) dst(%dma_wait3A_57 : memref<128x128xf32, #tpu.memory_space<hbm>>)
    %add3A_62 = arith.constant 6144 : i32
    %add3A_63 = arith.addi %mul3A_2, %add3A_62 : i32
    %dma_wait3A_64 = arith.constant 3 : i32
    %dma_wait3A_65 = arith.constant 0 : i32
    %dma_wait3A_66 = arith.constant 0 : i32
    %dma_wait3A_67 = tpu.memref_slice %arg6[%dma_wait3A_64, %dma_wait3A_65, %dma_wait3A_66] : memref<5x128x128xf32, #tpu.memory_space<vmem>> -> memref<1x128x128xf32, #tpu.memory_space<vmem>>
    %dma_wait3A_68 = tpu.memref_squeeze %dma_wait3A_67 : memref<1x128x128xf32, #tpu.memory_space<vmem>> -> memref<128x128xf32, #tpu.memory_space<vmem>>
    %dma_wait3A_69 = arith.constant 0 : i32
    %dma_wait3A_70 = tpu.memref_slice %arg4[%add3A_63, %dma_wait3A_69] : memref<204800x128xf32, #tpu.memory_space<hbm>> -> memref<128x128xf32, #tpu.memory_space<hbm>>
    %dma_wait3A_71 = arith.constant 0 : i32
    %dma_wait3A_72 = tpu.memref_slice %arg4[%add3A_63, %dma_wait3A_71] : memref<204800x128xf32, #tpu.memory_space<hbm>> -> memref<128x128xf32, #tpu.memory_space<hbm>>
    %dma_wait3A_73 = arith.constant 0 : i32
    %dma_wait3A_74 = arith.constant 0 : i32
    %dma_wait3A_75 = tpu.memref_slice %arg6[%dma_wait3A_64, %dma_wait3A_73, %dma_wait3A_74] : memref<5x128x128xf32, #tpu.memory_space<vmem>> -> memref<1x128x128xf32, #tpu.memory_space<vmem>>
    %dma_wait3A_76 = tpu.memref_squeeze %dma_wait3A_75 : memref<1x128x128xf32, #tpu.memory_space<vmem>> -> memref<128x128xf32, #tpu.memory_space<vmem>>
    tpu.wait_dma2 semaphore(%arg15 : memref<!tpu.dma_semaphore, #tpu.memory_space<semaphore_mem>>) src(%dma_wait3A_76 : memref<128x128xf32, #tpu.memory_space<vmem>>) dst(%dma_wait3A_72 : memref<128x128xf32, #tpu.memory_space<hbm>>)
    %add3A_77 = arith.constant 6272 : i32
    %add3A_78 = arith.addi %mul3A_2, %add3A_77 : i32
    %dma_wait3A_79 = arith.constant 4 : i32
    %dma_wait3A_80 = arith.constant 0 : i32
    %dma_wait3A_81 = arith.constant 0 : i32
    %dma_wait3A_82 = tpu.memref_slice %arg6[%dma_wait3A_79, %dma_wait3A_80, %dma_wait3A_81] : memref<5x128x128xf32, #tpu.memory_space<vmem>> -> memref<1x128x128xf32, #tpu.memory_space<vmem>>
    %dma_wait3A_83 = tpu.memref_squeeze %dma_wait3A_82 : memref<1x128x128xf32, #tpu.memory_space<vmem>> -> memref<128x128xf32, #tpu.memory_space<vmem>>
    %dma_wait3A_84 = arith.constant 0 : i32
    %dma_wait3A_85 = tpu.memref_slice %arg4[%add3A_78, %dma_wait3A_84] : memref<204800x128xf32, #tpu.memory_space<hbm>> -> memref<128x128xf32, #tpu.memory_space<hbm>>
    %dma_wait3A_86 = arith.constant 0 : i32
    %dma_wait3A_87 = tpu.memref_slice %arg4[%add3A_78, %dma_wait3A_86] : memref<204800x128xf32, #tpu.memory_space<hbm>> -> memref<128x128xf32, #tpu.memory_space<hbm>>
    %dma_wait3A_88 = arith.constant 0 : i32
    %dma_wait3A_89 = arith.constant 0 : i32
    %dma_wait3A_90 = tpu.memref_slice %arg6[%dma_wait3A_79, %dma_wait3A_88, %dma_wait3A_89] : memref<5x128x128xf32, #tpu.memory_space<vmem>> -> memref<1x128x128xf32, #tpu.memory_space<vmem>>
    %dma_wait3A_91 = tpu.memref_squeeze %dma_wait3A_90 : memref<1x128x128xf32, #tpu.memory_space<vmem>> -> memref<128x128xf32, #tpu.memory_space<vmem>>
    tpu.wait_dma2 semaphore(%arg16 : memref<!tpu.dma_semaphore, #tpu.memory_space<semaphore_mem>>) src(%dma_wait3A_91 : memref<128x128xf32, #tpu.memory_space<vmem>>) dst(%dma_wait3A_87 : memref<128x128xf32, #tpu.memory_space<hbm>>)
    return
  }
}

</mosaic_0001>

<sc_bundles>
// kernel: kernel.3.cloned.1.call-start
scs
__scs_entry_jumppad:
0x0: {  	(pc) =	sbr.rel $0x88, $3  }
0x1: {  	(tag) =	ssettag $0x0;
	lr =	simm.s32 $0x1  }
0x2: {  	[smem:$0x3F9F] =	sst lr;
	_ =	strace $0xD0000000  }
0x3: {  	_ = 	snop  }
0x4: {  	_ = 	snop  }
0x5: {  	_ = 	snop  }
0x6: {  	_ = 	snop  }
0x7: {  	_ = 	snop  }
__scs_overlays_trampoline_lowered:
0x8: {  	[smem:$0x3FAE] =	sst s0  }
0x9: {  	[smem:$0x3FAF] =	sst s1  }
0xa: {  	[smem:$0x3FB0] =	sst s2  }
0xb: {  	[smem:$0x3FB1] =	sst s3  }
0xc: {  	[smem:$0x3FB2] =	sst s4  }
0xd: {  	[smem:$0x3FB3] =	sst s5  }
0xe: {  	[smem:$0x3FB4] =	sst s6  }
0xf: {  	[smem:$0x3FB5] =	sst s7  }
0x10: {  	[smem:$0x3FB6] =	sst s8  }
0x11: {  	[smem:$0x3FB7] =	sst s9;
	s0 =	simm.s32 @!p0 $0x0  }
0x12: {  	s1 =	sld [smem:$0x3F9D];
	s0 =	simm.s32 @p0 $0x1  }
0x13: {  	[smem:$0x3FB8] =	sst s0;
	s0 =	simm.s32 @!p1 $0x0  }
0x14: {  	s2 =	sld [smem:$0x3F9C];
	s0 =	simm.s32 @p1 $0x1  }
0x15: {  	[smem:$0x3FB9] =	sst s0;
	s0 =	simm.s32 @!p2 $0x0  }
0x16: {  	s3 =	sld [smem:$0x3FDB];
	s0 =	simm.s32 @p2 $0x1  }
0x17: {  	s4 =	simm.s32 $0x1BF5;
	[smem:$0x3FBB] =	sst s0  }
0x18: {  	s0 =	sld [smem:$0x3F9E];
	_ =	swait.ge [sflag:s4], $0x0  }
0x19: {  	s7 =	sld [smem:$0x3F9F]  }
0x1a: {  	s8 =	sadd.s32 $0xFFFFE003, lr  }
0x1b: {  	s9 =	sadd.s32 $0xFFFFFEF7, lr;
	s5 =	simm.s32 $0xFFFFFFFF;
	p2 =	slt.u32 s8, $0xFFFFF086  }
0x1c: {  	p1 =	slt.u32 s9, $0xF7A;
	s5 =	simm.s32 @!p2 $0x0  }
0x1d: {  	s5 =	simm.s32 @p1 $0x1;
	p0 =	seq.s32 s7, s2  }
0x1e: {  	s7 =	smul.u32 @!p0 $0xF7A, s2;
	p2 =	seq.s32 @!p0 s5, $0x0  }
0x1f: {  	s9 =	smul.u32 $0xF7A, s1;
	s8 =	simm.s32 @!p0 $0x1BF5;
	p2 =	por !p2, p0  }
0x20: {  	[sflag:s8] =	ssyncset.s32 @!p0 $0xFFFFF086;
	s6 =	sadd.s32 @!p0 s3, s7;
	s7 =	simm.s32 @!p0 $0x108  }
0x21: {  	s3 =	sadd.s32 s3, s9;
	s6 =	sadd.s32 @!p0 $0x88, s6;
	s7 =	simm.s32 @p2 $0x1082  }
0x22: {  	[simem:s7], [sflag:s8] =	dma.local @!p0 [hbm:s6], $0xF7A  }
0x23: {  	s9 =	sor.u32 $0xD0000000, s2;
	s6 =	simm.s32 $0x108;
	_ =	swait.ge @!p0 [sflag:s8], $0x0  }
0x24: {  	s3 =	sadd.s32 $0x88, s3;
	s6 =	simm.s32 @!p1 $0x1082;
	[sflag:s4] =	ssyncset.s32 $0xFFFFF086  }
0x25: {  	[simem:s6], [sflag:s4] =	dma.local [hbm:s3], $0xF7A  }
0x26: {  	[smem:$0x3F9F] =	sst s1;
	(tag) =	ssettag s2;
	_ =	strace s9  }
0x27: {  	s1 =	sld [smem:$0x3FAF]  }
0x28: {  	s2 =	sld [smem:$0x3FB0]  }
0x29: {  	s4 =	sld [smem:$0x3FB2]  }
0x2a: {  	p0 =	seq.s32 s5, $0x0;
	s5 =	sld [smem:$0x3FB3]  }
0x2b: {  	s6 =	sld [smem:$0x3FB4]  }
0x2c: {  	s7 =	sld [smem:$0x3FB5]  }
0x2d: {  	s3 =	simm.s32 $0x108;
	s8 =	sld [smem:$0x3FB6]  }
0x2e: {  	s3 =	simm.s32 @!p0 $0x1082;
	s9 =	sld [smem:$0x3FB7]  }
0x2f: {  	lr =	sadd.s32 s0, s3;
	s0 =	sld [smem:$0x3FAE]  }
0x30: {  	s3 =	sld [smem:$0x3FB1]  }
0x31: {  	[smem:$0x3FBA] =	sst s10  }
0x32: {  	s10 =	sld [smem:$0x3FB8];
	_ =	sdelay $0x3  }
0x33: {  	p0 =	seq.s32 s10, $0x1;
	s10 =	sld [smem:$0x3FBA];
	_ =	sdelay $0x3  }
0x34: {  	[smem:$0x3FBA] =	sst s10  }
0x35: {  	s10 =	sld [smem:$0x3FB9];
	_ =	sdelay $0x3  }
0x36: {  	p1 =	seq.s32 s10, $0x1;
	s10 =	sld [smem:$0x3FBA];
	_ =	sdelay $0x3  }
0x37: {  	[smem:$0x3FBA] =	sst s10  }
0x38: {  	s10 =	sld [smem:$0x3FBB]  }
0x39: {  	_ = 	snop;
	(pc) =	sbr.ind lr, $3  }
0x3a: {  	_ = 	snop  }
0x3b: {  	_ = 	snop  }
0x3c: {  	p2 =	seq.s32 s10, $0x1;
	s10 =	sld [smem:$0x3FBA]  }
0x3d: {  	_ =	shalt  }
0x3e: {  	_ =	shalt  }
0x3f: {  	_ =	shalt  }
0x40: {  	_ =	shalt  }
0x41: {  	_ =	shalt  }
0x42: {  	_ =	shalt  }
0x43: {  	_ =	shalt  }
0x44: {  	_ =	shalt  }
0x45: {  	_ =	shalt  }
0x46: {  	_ =	shalt  }
0x47: {  	_ =	shalt  }
0x48: {  	_ =	shalt  }
0x49: {  	_ =	shalt  }
0x4a: {  	_ =	shalt  }
0x4b: {  	_ =	shalt  }
0x4c: {  	_ =	shalt  }
0x4d: {  	_ =	shalt  }
0x4e: {  	_ =	shalt  }
0x4f: {  	_ =	shalt  }
0x50: {  	_ =	shalt  }
0x51: {  	_ =	shalt  }
0x52: {  	_ =	shalt  }
0x53: {  	_ =	shalt  }
0x54: {  	_ =	shalt  }
0x55: {  	_ =	shalt  }
0x56: {  	_ =	shalt  }
0x57: {  	_ =	shalt  }
0x58: {  	_ =	shalt  }
0x59: {  	_ =	shalt  }
0x5a: {  	_ =	shalt  }
0x5b: {  	_ =	shalt  }
0x5c: {  	_ =	shalt  }
0x5d: {  	_ =	shalt  }
0x5e: {  	_ =	shalt  }
0x5f: {  	_ =	shalt  }
0x60: {  	_ =	shalt  }
0x61: {  	_ =	shalt  }
0x62: {  	_ =	shalt  }
0x63: {  	_ =	shalt  }
0x64: {  	_ =	shalt  }
0x65: {  	_ =	shalt  }
0x66: {  	_ =	shalt  }
0x67: {  	_ =	shalt  }
0x68: {  	_ =	shalt  }
0x69: {  	_ =	shalt  }
0x6a: {  	_ =	shalt  }
0x6b: {  	_ =	shalt  }
0x6c: {  	_ =	shalt  }
0x6d: {  	_ =	shalt  }
0x6e: {  	_ =	shalt  }
0x6f: {  	_ =	shalt  }
0x70: {  	_ =	shalt  }
0x71: {  	_ =	shalt  }
0x72: {  	_ =	shalt  }
0x73: {  	_ =	shalt  }
0x74: {  	_ =	shalt  }
0x75: {  	_ =	shalt  }
0x76: {  	_ =	shalt  }
0x77: {  	_ =	shalt  }
0x78: {  	_ =	shalt  }
0x79: {  	_ =	shalt  }
0x7a: {  	_ =	shalt  }
0x7b: {  	_ =	shalt  }
0x7c: {  	_ =	shalt  }
0x7d: {  	_ =	shalt  }
0x7e: {  	_ =	shalt  }
0x7f: {  	_ =	shalt  }
0x80: {  	_ =	shalt  }
0x81: {  	_ =	shalt  }
0x82: {  	_ =	shalt  }
0x83: {  	_ =	shalt  }
0x84: {  	_ =	shalt  }
0x85: {  	_ =	shalt  }
0x86: {  	_ =	shalt  }
0x87: {  	_ =	shalt  }
.Lfunc_end0:
.L_simem_size_0:
called_computation_lowered:
.L_overlay_start_0:
0x88: {  	s2 =	sld [smem:$0x3FD9]  }
0x89: {  	s3 =	sld [smem:$0x3FFE];
	_ =	sdelay $0x1  }
0x8a: {  	s1 =	srdreg.scid  }
0x8b: {  	s0 =	sand.u32 $0x1, s1  }
0x8c: {  	s17 =	sshll.u32 s0, $0xA;
	s2 =	sadd.s32 s3, s2  }
0x8d: {  	s2 =	sadd.s32 s2, s17  }
0x8e: {  	[smem:$0x3FC6] =	sst s2  }
0x8f: {  	_ = 	snop  }
0x90: {  	s2 =	sld [smem:$0x3FC8]  }
0x91: {  	s18 =	sld [smem:$0x3FD0];
	(tm) =	ssettm $0x1  }
0x92: {  	s4 =	sld [smem:$0x3FFB];
	_ =	sdelay $0x3  }
0x93: {  	_ =	strace s4  }
0x94: {  	s4 =	sld [smem:$0x3FFC];
	_ =	sdelay $0x3  }
0x95: {  	_ =	strace s4  }
0x96: {  	s4 =	sld [smem:$0x3FFD];
	_ =	sdelay $0x3  }
0x97: {  	_ =	strace s4  }
0x98: {  	_ =	strace $0x8FFFFFFF  }
0x99: {  	s19 =	sld [smem:$0x3FDB];
	_ =	sdelay $0x1  }
0x9a: {  	s5 =	simm.s32 $_scs_section_size  }
0x9b: {  	s6 =	simm.s32 $_size__tile_overlayer_lowered;
	s7 =	simm.s32 $_tile_overlayer_lowered  }
0x9c: {  	s22 =	simm.s32 $0x1BFF;
	s21 =	sshll.u32 s7, $0x1;
	s4 =	sadd.s32 s5, s19  }
0x9d: {  	s8 =	simm.s32 $0x0;
	s20 =	sshll.u32 s6, $0x1;
	s6 =	sadd.s32 s21, s4  }
0x9e: {  	[timem:s8], [sflag:s22] =	dma.local [hbm:s6], s20  }
0x9f: {  	_ =	swait.ge [sflag:s22], s20  }
0xa0: {  	s5 =	ssub.s32 $0x0, s20;
	[sflag:s22] =	ssyncset.done $0x0  }
0xa1: {  	[sflag:s22] =	ssyncadd.s32 s5;
	_ =	sdelay $0x1  }
0xa2: {  	s23 =	simm.s32 $0x1B8B  }
0xa3: {  	_ =	swait.ge [sflag:s23], $0x1  }
0xa4: {  	[sflag:s23] =	ssyncset.done $0x0  }
0xa5: {  	s25 =	simm.s32 $0x1B8E;
	s24 =	sld [smem:$0x3FFE];
	[sflag:s23] =	ssyncadd.s32 $0xFFFFFFFF  }
0xa6: {  	s26 =	simm.s32 $execute0_lowered;
	[smem:$0x3FD2] =	sst s25  }
0xa7: {  	s6 =	sshll.u32 s26, $0x1;
	_ =	strace $0x80000046;
	[dreg:$0x1] =	wrdreg $0xFFFFFFFF  }
0xa8: {  	s28 =	simm.s32 $_size_execute0_lowered;
	s4 =	sadd.s32 s4, s6;
	[dreg:$0x0] =	wrdreg $0x0  }
0xa9: {  	s6 =	sshll.u32 s28, $0x1;
	[dreg:$0x2] =	wrdreg s4  }
0xaa: {  	[dreg:$0x3] =	wrdreg s6  }
0xab: {  	[dreg:$0x4] =	wrdreg $0xC0  }
0xac: {  	_ =	task [dreg:s8], $0x5FFFF  }
0xad: {  	[dreg:$0x1] =	wrdreg $0xFFFFFFFF  }
0xae: {  	[dreg:$0x0] =	wrdreg $0x60  }
0xaf: {  	[dreg:$0x2] =	wrdreg s24  }
0xb0: {  	[dreg:$0x3] =	wrdreg s2  }
0xb1: {  	[dreg:$0x4] =	wrdreg s18  }
0xb2: {  	[dreg:$0x5] =	wrdreg $0x9  }
0xb3: {  	_ =	task.clear_ibuf [dreg:s8], $0x6FFFF;
	_ =	strace $0x90000046  }
0xb4: {  	s29 =	simm.s32 $0x9;
	_ =	strace $0x80000048  }
0xb5: {  	_ =	swait.ge [sflag:s29], $0x1  }
0xb6: {  	[sflag:s29] =	ssyncadd.s32 $0xFFFFFFFF  }
0xb7: {  	_ =	strace $0x90000048  }
0xb8: {  	_ =	sfence  }
0xb9: {  	s30 =	sld [smem:$0x0];
	_ =	sdelay $0x2  }
0xba: {  	s31 =	sshll.u32 s1, $0xD;
	s1 =	sshrl.u32 s1, $0x2  }
0xbb: {  	s3 =	sand.u32 $0x4000, s31;
	s1 =	sadd.s32 s1, s30  }
0xbc: {  	s0 =	sor.u32 s3, s0;
	s1 =	sshll.u32 s1, $0x11  }
0xbd: {  	s0 =	sor.u32 s1, s0  }
0xbe: {  	s0 =	sadd.s32 $0x8F2B, s0  }
0xbf: {  	[sflag:s0] =	ssyncadd.remote.s32 $0x1  }
0xc0: {  	_ =	sfence.sel $0xFFFF  }
0xc1: {  	[dreg:$0x0] =	wrdreg $0xFFFFFFFF;
	(pc) =	sbr.abs _section_cstart, $3  }
0xc2: {  	[dreg:$0x1] =	wrdreg $0xFFFFFFFF  }
0xc3: {  	_ =	task.clear_ibuf [dreg:s8], $0x2FFFF;
	_ =	strace $0x9FFFFFFF  }
0xc4: {  	(tm) =	ssettm $0x7FFFFFFF  }
0xc5: {  	_ =	shalt  }
tec
execute0_lowered:
.L_overlay_start_1:
0x0: {  	(tag) =	ssettag $0x1  }
0x1: {  	s1 =	rddreg [dreg:$0x0]  }
0x2: {  	s0 =	srdreg.scid;
	s2 =	rddreg [dreg:$0x1]  }
0x3: {  	s9 =	stileid.u32;
	s4 =	rddreg [dreg:$0x2];
	s12 =	simm.s32 $0x80  }
0x4: {  	s13 =	simm.s32 $0x1C00;
	s14 =	simm.s32 $0x5C00;
	s15 =	simm.s32 $0x1  }
0x5: {  	s16 =	simm.s32 $0x9C00;
	s17 =	simm.s32 $0x2;
	s18 =	simm.s32 $0xDC00  }
0x6: {  	s19 =	simm.s32 $0x3;
	s20 =	simm.s32 $0x11C00;
	s6 =	smul.u32 $0x190000, s9  }
0x7: {  	s0 =	sand.u32 $0x1, s0;
	s3 =	sshll.u32 s9, $0x1;
	s9 =	smul.u32 $0x32000, s9  }
0x8: {  	s21 =	simm.s32 $0x4;
	s22 =	simm.s32 $0x5;
	s7 =	smul.u32 $0xC8000, s0  }
0x9: {  	s3 =	sor.u32 s0, s3;
	s24 =	ssub.s32 $0x2, s0;
	s0 =	smul.u32 $0x19000, s0  }
0xa: {  	s29 =	simm.s32 $0x0;
	s5 =	smul.u32 $0x380, s3;
	s3 =	simm.s32 $0x0  }
0xb: {  	s8 =	sshrl.u32 s24, $0x1;
	s25 =	sadd.s32 s9, s4;
	[smem:$0x7FF] =	sst s3  }
0xc: {  	s7 =	sadd.s32 s7, s6;
	_ =	strace $0x80000047;
	s1 =	sadd.s32 s5, s1  }
0xd: {  	s5 =	ssub.s32 s24, s8;
	s6 =	sadd.s32 $0x10000, s7;
	s28 =	sadd.s32 $0xC000, s7  }
0xe: {  	s30 =	sadd.s32 $0x8000, s7;
	s31 =	sor.u32 $0x4000, s7;
	s1 =	sadd.s32 $0x400, s1  }
0xf: {  	s26 =	sshrl.u32 s6, $0x3;
	s5 =	smax.u32 s5, $0x1;
	[dreg:$0x4] =	wrdreg s1  }
0x10: {  	s6 =	sadd.s32 s0, s25;
	s0 =	sshrl.u32 s28, $0x3;
	[dreg:$0x5] =	wrdreg s5  }
0x11: {  	s23 =	sadd.s32 s26, s4;
	s1 =	sshrl.u32 s30, $0x3;
	s5 =	sshrl.u32 s31, $0x3  }
0x12: {  	s8 =	sadd.s32 s0, s4;
	s9 =	sadd.s32 s1, s4;
	s10 =	sadd.s32 s5, s4  }
.LBB2_1:
0x13: {  	s0 =	rddreg [dreg:$0x4];
	s24 =	simm.s32 $0xB  }
0x14: {  	[tilespmem:s3], [sflag:$0xB] =	stream.linear.gather [hbm4b:s0+s3], $0x1900, $0x38;
	[tilespmem:$0x15C00] =	vst v63  }
0x15: {  	_ =	swait.ge [sflag:s24], $0x1900  }
0x16: {  	p0 =	por $0x1, $0x1;
	[sflag:s24] =	ssyncset.done $0x0  }
0x17: {  	s0 =	simm.s32 @!p0 $0x7;
	[sflag:s24] =	ssyncadd.s32 $0xFFFFE700  }
0x18: {  	[tilespmem:s13], [sflag:$0x1] =	stream.indirect.gather [hbm4b:s2+s12], $0x80, s3, s12, $0xb8;
	[tilespmem:$0x15C00] =	vst v63  }
0x19: {  	_ =	swait.ge @!p0 [sflag:s0], $0x4000  }
0x1a: {  	[sflag:s0] =	ssyncset.done @!p0 $0x0  }
0x1b: {  	s1 =	simm.s32 $0x80;
	[sflag:s0] =	ssyncadd.s32 @!p0 $0xFFFFC000  }
0x1c: {  	[tilespmem:s14], [sflag:$0x2] =	stream.indirect.gather [hbm4b:s2+s12], $0x80, s1, s12, $0xb8;
	[tilespmem:$0x15C00] =	vst v63  }
0x1d: {  	_ =	swait.ge [sflag:s15], $0x4000  }
0x1e: {  	[sflag:s15] =	ssyncset.done $0x0  }
0x1f: {  	s0 =	simm.s32 @!p0 $0x8;
	[sflag:s15] =	ssyncadd.s32 $0xFFFFC000  }
0x20: {  	[hbm4b:s6+s3] =	stream.linear.scatter [tilespmem:s13], [sflag:$0x6], $0x4000, $0x38;
	[tilespmem:$0x15C00] =	vst v63  }
0x21: {  	_ =	swait.ge @!p0 [sflag:s0], $0x4000  }
0x22: {  	[sflag:s0] =	ssyncset.done @!p0 $0x0  }
0x23: {  	s25 =	simm.s32 $0x100;
	[sflag:s0] =	ssyncadd.s32 @!p0 $0xFFFFC000  }
0x24: {  	[tilespmem:s16], [sflag:$0x3] =	stream.indirect.gather [hbm4b:s2+s12], $0x80, s25, s12, $0xb8;
	[tilespmem:$0x15C00] =	vst v63  }
0x25: {  	_ =	swait.ge [sflag:s17], $0x4000  }
0x26: {  	[sflag:s17] =	ssyncset.done $0x0  }
0x27: {  	s0 =	simm.s32 @!p0 $0x9;
	[sflag:s17] =	ssyncadd.s32 $0xFFFFC000  }
0x28: {  	[hbm4b:s10+s3] =	stream.linear.scatter [tilespmem:s14], [sflag:$0x7], $0x4000, $0x38;
	[tilespmem:$0x15C00] =	vst v63  }
0x29: {  	_ =	swait.ge @!p0 [sflag:s0], $0x4000  }
0x2a: {  	[sflag:s0] =	ssyncset.done @!p0 $0x0  }
0x2b: {  	s26 =	simm.s32 $0x180;
	[sflag:s0] =	ssyncadd.s32 @!p0 $0xFFFFC000  }
0x2c: {  	[tilespmem:s18], [sflag:$0x4] =	stream.indirect.gather [hbm4b:s2+s12], $0x80, s26, s12, $0xb8;
	[tilespmem:$0x15C00] =	vst v63  }
0x2d: {  	_ =	swait.ge [sflag:s19], $0x4000  }
0x2e: {  	[sflag:s19] =	ssyncset.done $0x0  }
0x2f: {  	s0 =	simm.s32 @!p0 $0xA;
	[sflag:s19] =	ssyncadd.s32 $0xFFFFC000  }
0x30: {  	[hbm4b:s9+s3] =	stream.linear.scatter [tilespmem:s16], [sflag:$0x8], $0x4000, $0x38;
	[tilespmem:$0x15C00] =	vst v63  }
0x31: {  	_ =	swait.ge @!p0 [sflag:s0], $0x4000  }
0x32: {  	[sflag:s0] =	ssyncset.done @!p0 $0x0  }
0x33: {  	s28 =	simm.s32 $0x200;
	[sflag:s0] =	ssyncadd.s32 @!p0 $0xFFFFC000  }
0x34: {  	[tilespmem:s20], [sflag:$0x5] =	stream.indirect.gather [hbm4b:s2+s12], $0x80, s28, s12, $0xb8;
	[tilespmem:$0x15C00] =	vst v63  }
0x35: {  	_ =	swait.ge [sflag:s21], $0x4000  }
0x36: {  	p0 =	por $0x0, $0x0;
	[sflag:s21] =	ssyncset.done $0x0  }
0x37: {  	s31 =	simm.s32 $0xA00;
	s0 =	simm.s32 @!p0 $0x6;
	[sflag:s21] =	ssyncadd.s32 $0xFFFFC000  }
0x38: {  	[hbm4b:s8+s3] =	stream.linear.scatter [tilespmem:s18], [sflag:$0x9], $0x4000, $0x38;
	[tilespmem:$0x15C00] =	vst v63  }
0x39: {  	s11 =	simm.s32 $0x1400;
	s4 =	sadd.s32 $0x2800, s10;
	_ =	swait.ge @!p0 [sflag:s0], $0x4000  }
0x3a: {  	s30 =	sadd.s32 $0x2800, s23;
	s1 =	simm.s32 @!p0 $0x280;
	[sflag:s0] =	ssyncset.done @!p0 $0x0  }
0x3b: {  	s5 =	simm.s32 @!p0 $0x80;
	s7 =	simm.s32 @!p0 $0x1C00;
	[sflag:s0] =	ssyncadd.s32 @!p0 $0xFFFFC000  }
0x3c: {  	[tilespmem:s7], [sflag:$0x1] =	stream.indirect.gather @!p0 [hbm4b:s2+s5], $0x80, s1, s5, $0xb8;
	[tilespmem:$0x15C00] =	vst v63  }
0x3d: {  	s0 =	sadd.s32 $0x2800, s9;
	s1 =	sadd.s32 $0x2800, s8;
	p0 =	por $0x0, $0x0  }
0x3e: {  	s5 =	sadd.s32 $0x2800, s6;
	s7 =	smov.u32 s23;
	_ =	swait.ge [sflag:s22], $0x4000  }
.LBB2_2:
0x3f: {  	s25 =	simm.s32 @!p0 $0x7;
	[sflag:s22] =	ssyncset.done $0x0  }
0x40: {  	s24 =	smov.u32 s31;
	s31 =	smov.u32 s11;
	s11 =	sadd.s32 $0xA00, s11  }
0x41: {  	p1 =	sne.s32 s11, $0x6400;
	[sflag:s22] =	ssyncadd.s32 $0xFFFFC000  }
0x42: {  	[hbm4b:s7+s3] =	stream.linear.scatter [tilespmem:s20], [sflag:$0xA], $0x4000, $0x38;
	[tilespmem:$0x15C00] =	vst v63  }
0x43: {  	s26 =	sshra.s32 s24, $0x2;
	s7 =	smov.u32 s30;
	_ =	swait.ge @!p0 [sflag:s25], $0x4000  }
0x44: {  	s28 =	sadd.s32 $0x80, s26;
	[sflag:s25] =	ssyncset.done @!p0 $0x0  }
0x45: {  	[sflag:s25] =	ssyncadd.s32 @!p0 $0xFFFFC000  }
0x46: {  	[tilespmem:s14], [sflag:$0x2] =	stream.indirect.gather [hbm4b:s2+s12], $0x80, s28, s12, $0xb8;
	[tilespmem:$0x15C00] =	vst v63  }
0x47: {  	_ =	swait.ge [sflag:s15], $0x4000  }
0x48: {  	s25 =	simm.s32 @!p0 $0x8;
	[sflag:s15] =	ssyncset.done $0x0  }
0x49: {  	[sflag:s15] =	ssyncadd.s32 $0xFFFFC000  }
0x4a: {  	[hbm4b:s5+s3] =	stream.linear.scatter [tilespmem:s13], [sflag:$0x6], $0x4000, $0x38;
	[tilespmem:$0x15C00] =	vst v63  }
0x4b: {  	_ =	swait.ge @!p0 [sflag:s25], $0x4000  }
0x4c: {  	s28 =	sadd.s32 $0x100, s26;
	[sflag:s25] =	ssyncset.done @!p0 $0x0  }
0x4d: {  	[sflag:s25] =	ssyncadd.s32 @!p0 $0xFFFFC000  }
0x4e: {  	[tilespmem:s16], [sflag:$0x3] =	stream.indirect.gather [hbm4b:s2+s12], $0x80, s28, s12, $0xb8;
	[tilespmem:$0x15C00] =	vst v63  }
0x4f: {  	_ =	swait.ge [sflag:s17], $0x4000  }
0x50: {  	s25 =	simm.s32 @!p0 $0x9;
	[sflag:s17] =	ssyncset.done $0x0  }
0x51: {  	[sflag:s17] =	ssyncadd.s32 $0xFFFFC000  }
0x52: {  	[hbm4b:s4+s3] =	stream.linear.scatter [tilespmem:s14], [sflag:$0x7], $0x4000, $0x38;
	[tilespmem:$0x15C00] =	vst v63  }
0x53: {  	_ =	swait.ge @!p0 [sflag:s25], $0x4000  }
0x54: {  	s28 =	sadd.s32 $0x180, s26;
	[sflag:s25] =	ssyncset.done @!p0 $0x0  }
0x55: {  	[sflag:s25] =	ssyncadd.s32 @!p0 $0xFFFFC000  }
0x56: {  	[tilespmem:s18], [sflag:$0x4] =	stream.indirect.gather [hbm4b:s2+s12], $0x80, s28, s12, $0xb8;
	[tilespmem:$0x15C00] =	vst v63  }
0x57: {  	_ =	swait.ge [sflag:s19], $0x4000  }
0x58: {  	s25 =	simm.s32 @!p0 $0xA;
	[sflag:s19] =	ssyncset.done $0x0  }
0x59: {  	[sflag:s19] =	ssyncadd.s32 $0xFFFFC000  }
0x5a: {  	[hbm4b:s0+s3] =	stream.linear.scatter [tilespmem:s16], [sflag:$0x8], $0x4000, $0x38;
	[tilespmem:$0x15C00] =	vst v63  }
0x5b: {  	_ =	swait.ge @!p0 [sflag:s25], $0x4000  }
0x5c: {  	s26 =	sadd.s32 $0x200, s26;
	[sflag:s25] =	ssyncset.done @!p0 $0x0  }
0x5d: {  	[sflag:s25] =	ssyncadd.s32 @!p0 $0xFFFFC000  }
0x5e: {  	[tilespmem:s20], [sflag:$0x5] =	stream.indirect.gather [hbm4b:s2+s12], $0x80, s26, s12, $0xb8;
	[tilespmem:$0x15C00] =	vst v63  }
0x5f: {  	s4 =	sadd.s32 $0x2800, s4;
	_ =	swait.ge [sflag:s21], $0x4000  }
0x60: {  	s0 =	sadd.s32 $0x2800, s0;
	p0 =	seq.s32 s24, $0x5A00;
	[sflag:s21] =	ssyncset.done $0x0  }
0x61: {  	s25 =	simm.s32 @!p0 $0x6;
	s24 =	sshra.s32 @!p0 s24, $0x2;
	[sflag:s21] =	ssyncadd.s32 $0xFFFFC000  }
0x62: {  	[hbm4b:s1+s3] =	stream.linear.scatter [tilespmem:s18], [sflag:$0x9], $0x4000, $0x38;
	[tilespmem:$0x15C00] =	vst v63  }
.Ltmp0:
0x63: {  	s24 =	sadd.s32 @!p0 $0x280, s24;
	_ =	swait.ge @!p0 [sflag:s25], $0x4000;
	(pc) =	sbr.rel @p1 .LBB2_2-.Ltmp0, $4  }
0x64: {  	s26 =	simm.s32 @!p0 $0x80;
	s28 =	simm.s32 @!p0 $0x1C00;
	[sflag:s25] =	ssyncset.done @!p0 $0x0  }
0x65: {  	s30 =	sadd.s32 $0x2800, s30;
	s1 =	sadd.s32 $0x2800, s1;
	[sflag:s25] =	ssyncadd.s32 @!p0 $0xFFFFC000  }
0x66: {  	[tilespmem:s28], [sflag:$0x1] =	stream.indirect.gather @!p0 [hbm4b:s2+s26], $0x80, s24, s26, $0xb8;
	[tilespmem:$0x15C00] =	vst v63  }
0x67: {  	s5 =	sadd.s32 $0x2800, s5;
	p0 =	seq.s32 s31, $0x0;
	_ =	swait.ge [sflag:s22], $0x4000  }
0x68: {  	[sflag:s22] =	ssyncset.done $0x0  }
0x69: {  	s11 =	simm.s32 @!p0 $0x7;
	[sflag:s22] =	ssyncadd.s32 $0xFFFFC000  }
0x6a: {  	[hbm4b:s7+s3] =	stream.linear.scatter [tilespmem:s20], [sflag:$0xA], $0x4000, $0x38;
	[tilespmem:$0x15C00] =	vst v63  }
0x6b: {  	_ =	swait.ge @!p0 [sflag:s11], $0x4000  }
0x6c: {  	s25 =	sshra.s32 s31, $0x2;
	[sflag:s11] =	ssyncset.done @!p0 $0x0  }
0x6d: {  	s26 =	sadd.s32 $0x80, s25;
	[sflag:s11] =	ssyncadd.s32 @!p0 $0xFFFFC000  }
0x6e: {  	[tilespmem:s14], [sflag:$0x2] =	stream.indirect.gather [hbm4b:s2+s12], $0x80, s26, s12, $0xb8;
	[tilespmem:$0x15C00] =	vst v63  }
0x6f: {  	_ =	swait.ge [sflag:s15], $0x4000  }
0x70: {  	[sflag:s15] =	ssyncset.done $0x0  }
0x71: {  	[sflag:s15] =	ssyncadd.s32 $0xFFFFC000  }
0x72: {  	[hbm4b:s5+s3] =	stream.linear.scatter [tilespmem:s13], [sflag:$0x6], $0x4000, $0x38;
	[tilespmem:$0x15C00] =	vst v63  }
0x73: {  	s5 =	simm.s32 @!p0 $0x8  }
0x74: {  	_ =	swait.ge @!p0 [sflag:s5], $0x4000  }
0x75: {  	[sflag:s5] =	ssyncset.done @!p0 $0x0  }
0x76: {  	s28 =	sadd.s32 $0x100, s25;
	[sflag:s5] =	ssyncadd.s32 @!p0 $0xFFFFC000  }
0x77: {  	[tilespmem:s16], [sflag:$0x3] =	stream.indirect.gather [hbm4b:s2+s12], $0x80, s28, s12, $0xb8;
	[tilespmem:$0x15C00] =	vst v63  }
0x78: {  	_ =	swait.ge [sflag:s17], $0x4000  }
0x79: {  	[sflag:s17] =	ssyncset.done $0x0  }
0x7a: {  	[sflag:s17] =	ssyncadd.s32 $0xFFFFC000  }
0x7b: {  	[hbm4b:s4+s3] =	stream.linear.scatter [tilespmem:s14], [sflag:$0x7], $0x4000, $0x38;
	[tilespmem:$0x15C00] =	vst v63  }
0x7c: {  	s4 =	simm.s32 @!p0 $0x9  }
0x7d: {  	_ =	swait.ge @!p0 [sflag:s4], $0x4000  }
0x7e: {  	[sflag:s4] =	ssyncset.done @!p0 $0x0  }
0x7f: {  	s5 =	sadd.s32 $0x180, s25;
	[sflag:s4] =	ssyncadd.s32 @!p0 $0xFFFFC000  }
0x80: {  	[tilespmem:s18], [sflag:$0x4] =	stream.indirect.gather [hbm4b:s2+s12], $0x80, s5, s12, $0xb8;
	[tilespmem:$0x15C00] =	vst v63  }
0x81: {  	_ =	swait.ge [sflag:s19], $0x4000  }
0x82: {  	[sflag:s19] =	ssyncset.done $0x0  }
0x83: {  	[sflag:s19] =	ssyncadd.s32 $0xFFFFC000  }
0x84: {  	[hbm4b:s0+s3] =	stream.linear.scatter [tilespmem:s16], [sflag:$0x8], $0x4000, $0x38;
	[tilespmem:$0x15C00] =	vst v63  }
0x85: {  	s0 =	simm.s32 @!p0 $0xA  }
0x86: {  	_ =	swait.ge @!p0 [sflag:s0], $0x4000  }
0x87: {  	[sflag:s0] =	ssyncset.done @!p0 $0x0  }
0x88: {  	s11 =	sadd.s32 $0x200, s25;
	[sflag:s0] =	ssyncadd.s32 @!p0 $0xFFFFC000  }
0x89: {  	[tilespmem:s20], [sflag:$0x5] =	stream.indirect.gather [hbm4b:s2+s12], $0x80, s11, s12, $0xb8;
	[tilespmem:$0x15C00] =	vst v63  }
0x8a: {  	_ =	swait.ge [sflag:s21], $0x4000  }
0x8b: {  	p0 =	seq.s32 s31, $0x5A00;
	[sflag:s21] =	ssyncset.done $0x0  }
0x8c: {  	s0 =	simm.s32 @!p0 $0x6;
	[sflag:s21] =	ssyncadd.s32 $0xFFFFC000  }
0x8d: {  	[hbm4b:s1+s3] =	stream.linear.scatter [tilespmem:s18], [sflag:$0x9], $0x4000, $0x38;
	[tilespmem:$0x15C00] =	vst v63  }
0x8e: {  	_ =	swait.ge @!p0 [sflag:s0], $0x4000  }
0x8f: {  	s4 =	simm.s32 @!p0 $0x80;
	s1 =	sshra.s32 @!p0 s31, $0x2;
	[sflag:s0] =	ssyncset.done @!p0 $0x0  }
0x90: {  	s1 =	sadd.s32 @!p0 $0x280, s1;
	[sflag:s0] =	ssyncadd.s32 @!p0 $0xFFFFC000;
	s0 =	simm.s32 @!p0 $0x1C00  }
0x91: {  	[tilespmem:s0], [sflag:$0x1] =	stream.indirect.gather @!p0 [hbm4b:s2+s4], $0x80, s1, s4, $0xb8;
	[tilespmem:$0x15C00] =	vst v63  }
0x92: {  	_ =	swait.ge [sflag:s22], $0x4000  }
0x93: {  	[sflag:s22] =	ssyncset.done $0x0  }
0x94: {  	s24 =	simm.s32 $0x6;
	[sflag:s22] =	ssyncadd.s32 $0xFFFFC000  }
0x95: {  	[hbm4b:s30+s3] =	stream.linear.scatter [tilespmem:s20], [sflag:$0xA], $0x4000, $0x38;
	[tilespmem:$0x15C00] =	vst v63  }
0x96: {  	_ =	swait.ge [sflag:s24], $0x4000  }
0x97: {  	[sflag:s24] =	ssyncset.done $0x0  }
0x98: {  	s25 =	simm.s32 $0x7;
	[sflag:s24] =	ssyncadd.s32 $0xFFFFC000  }
0x99: {  	_ =	swait.ge [sflag:s25], $0x4000  }
0x9a: {  	[sflag:s25] =	ssyncset.done $0x0  }
0x9b: {  	s26 =	simm.s32 $0x8;
	[sflag:s25] =	ssyncadd.s32 $0xFFFFC000  }
0x9c: {  	_ =	swait.ge [sflag:s26], $0x4000  }
0x9d: {  	[sflag:s26] =	ssyncset.done $0x0  }
0x9e: {  	s28 =	simm.s32 $0x9;
	[sflag:s26] =	ssyncadd.s32 $0xFFFFC000  }
0x9f: {  	_ =	swait.ge [sflag:s28], $0x4000  }
0xa0: {  	[sflag:s28] =	ssyncset.done $0x0  }
0xa1: {  	s30 =	simm.s32 $0xA;
	[sflag:s28] =	ssyncadd.s32 $0xFFFFC000  }
0xa2: {  	_ =	swait.ge [sflag:s30], $0x4000  }
0xa3: {  	s29 =	sadd.s32 $0x1, s29;
	s31 =	rddreg [dreg:$0x5]  }
0xa4: {  	p0 =	sne.s32 s29, s31  }
.Ltmp1:
0xa5: {  	_ = 	snop;
	(pc) =	sbr.rel @p0 .LBB2_1-.Ltmp1, $3  }
0xa6: {  	_ =	sdelay $0x1  }
0xa7: {  	[sflag:s30] =	ssyncset.done $0x0  }
0xa8: {  	[sflag:s30] =	ssyncadd.s32 $0xFFFFC000  }
0xa9: {  	_ =	sfence.sel $0x180000  }
0xaa: {  	[bflag:$0x0] =	sbarrier.arrive $0xFFFF  }
0xab: {  	_ =	strace $0x90000047  }
0xac: {  	s0 =	stileid.u32;
	[bflag:$0x2] =	sbarrier.arrive $0xFFFF  }
0xad: {  	p0 =	sne.s32 s0, $0x0;
	s0 =	rddreg [dreg:$0x3]  }
0xae: {  	s0 =	sadd.s32 @!p0 $0x100000, s0  }
0xaf: {  	[sflag:s0] =	ssyncadd.tile.s32 @!p0 $0x1;
	_ =	shalt  }
.Lfunc_end2:
_tile_overlayer_lowered:
.L_overlay_start_2:
0xb0: {  	(tag) =	ssettag $0x2  }
0xb1: {  	s0 =	rddreg [dreg:$0x0];
	s2 =	stileid.u32  }
0xb2: {  	s1 =	rddreg [dreg:$0x1];
	p0 =	sne.s32 s2, $0x0  }
0xb3: {  	s3 =	rddreg [dreg:$0x2];
	[bflag:$0x3] =	sbarrier.arrive $0xFFFF;
	s2 =	simm.s32 @!p0 $0x1C0B  }
0xb4: {  	[timem:s3], [sflag:s2] =	dma.local @!p0 [hbm:s0], s1  }
0xb5: {  	s0 =	simm.s32 @!p0 $0xB  }
0xb6: {  	_ =	swait.ge @!p0 [sflag:s0], s1  }
0xb7: {  	s1 =	ssub.s32 @!p0 $0x0, s1;
	[sflag:s0] =	ssyncset.done @!p0 $0x0  }
0xb8: {  	[sflag:s0] =	ssyncadd.s32 @!p0 s1  }
0xb9: {  	[bflag:$0x3] =	sbarrier.arrive $0xFFFF  }
0xba: {  	_ =	shalt  }

</sc_bundles>
